<compile_context>
chip_gen: v7x
topology: tpu7x:2x2x1
jax: 0.10.2.dev20260603
libtpu: 0.0.44.dev20260713+nightly
codegen_flags: <defaults>
</compile_context>

<pallas_src>
import functools

import jax
import jax.numpy as jnp
from jax import lax
from jax.experimental import pallas as pl
from jax.experimental.pallas import tpu as pltpu
from jax.experimental.pallas import tpu_sc as plsc

N_ITEMS = 100001
D = 128
B = 4096
H = 200
TOTAL = B * H
SCALE = 50.0 ** 0.5

NC = 2
NS = 16
NW = NC * NS
PER_W = TOTAL // NW
CHUNK = 128
NCHUNK = PER_W // CHUNK
NRING = 6
LANES = 16


def _emb_body(x_hbm, table_hbm, out_hbm, idx_all, rows_v, sem_g, sem_s):
    wid = lax.axis_index("s") * NC + lax.axis_index("c")
    base = wid * PER_W

    pltpu.sync_copy(x_hbm.at[wid], idx_all)

    def gather(j, slot):
        return pltpu.make_async_copy(
            table_hbm.at[idx_all.at[j]],
            rows_v.at[pl.ds(slot * CHUNK, CHUNK)], sem_g)

    def scatter(j, slot):
        return pltpu.make_async_copy(
            rows_v.at[pl.ds(slot * CHUNK, CHUNK)],
            out_hbm.at[pl.ds(base + j * CHUNK, CHUNK)], sem_s)

    gather(0, 0).start()
    gather(1, 1).start()
    gather(2, 2).start()

    def step(i, carry):
        h = lax.rem(i, NRING)
        gather(i, h).wait()

        @pl.when(i >= 3)
        def _():
            scatter(i - 3, lax.rem(i - 3, NRING)).wait()

        @pl.when(i + 3 < NCHUNK)
        def _():
            gather(i + 3, lax.rem(i + 3, NRING)).start()

        rbase = h * CHUNK

        def scale_row(r, c):
            for j in range(D // LANES):
                sl = pl.ds(j * LANES, LANES)
                rows_v[rbase + r, sl] = rows_v[rbase + r, sl] * SCALE
            return c

        lax.fori_loop(0, CHUNK, scale_row, 0, unroll=4)
        scatter(i, h).start()
        return carry

    lax.fori_loop(0, NCHUNK, step, 0)

    scatter(NCHUNK - 3, lax.rem(NCHUNK - 3, NRING)).wait()
    scatter(NCHUNK - 2, lax.rem(NCHUNK - 2, NRING)).wait()
    scatter(NCHUNK - 1, lax.rem(NCHUNK - 1, NRING)).wait()


@jax.jit
def _emb(x_resh, table):
    mesh = plsc.VectorSubcoreMesh(core_axis_name="c", subcore_axis_name="s")
    run = functools.partial(
        pl.kernel,
        mesh=mesh,
        out_type=jax.ShapeDtypeStruct((TOTAL, D), jnp.float32),
        scratch_types=[
            pltpu.VMEM((NCHUNK, CHUNK), jnp.int32),
            pltpu.VMEM((NRING * CHUNK, D), jnp.float32),
            pltpu.SemaphoreType.DMA,
            pltpu.SemaphoreType.DMA,
        ],
    )(_emb_body)
    return run(x_resh, table)


def kernel(X, table):
    out = _emb(X.reshape(NW, NCHUNK, CHUNK), table)
    return out.reshape(B, H, D)

# --- scband reference (transcript-rebuilt; emitter-appended) ---
"""Pipeline reference for scband-embedding-layer-51866025067208 (READ-ONLY COPY).

The authoritative reference and input builder live on the scoring server;
editing this copy changes nothing except your own understanding.
"""

import jax, jax.numpy as jnp
import numpy as np

N_ITEMS = 100000 + 1  # pos_enc=False adds 1, padding_idx=0
D = 128
N_SCALE = 50
BATCH = 4096
HIST = 200


def setup_inputs(seed: int = 0) -> dict:
    key = jax.random.key(seed)
    k1, k2 = jax.random.split(key)
    X = jax.random.randint(k1, (BATCH, HIST), 0, N_ITEMS, dtype=jnp.int32)
    table = jax.random.normal(k2, (N_ITEMS, D), dtype=jnp.float32)
    # padding_idx=0 row is initialized to zeros in nn.Embedding
    table = table.at[0].set(0.0)
    return {"X": X, "table": table}


def reference(X, table):
    # emulate padding_idx=0: row 0 is forced to zero
    table_eff = table.at[0].set(jnp.zeros((table.shape[1],), dtype=table.dtype))
    out = jnp.take(table_eff, X, axis=0)
    # scale=True: multiply by n ** 0.5
    out = out * (N_SCALE ** 0.5)
    return out

if __name__ == "__main__":
    import jax
    _d = setup_inputs()
    print(jax.jit(kernel)(*tuple(_d.values())))

</pallas_src>

<mosaic_0001>
#map = affine_map<(d0, d1) -> (0, 0, 0)>
#map1 = affine_map<(d0, d1) -> (0, 0)>
module attributes {stable_mosaic.version = 14 : i64} {
  func.func @_emb_body(%arg0: i32, %arg1: i32, %arg2: memref<32x200x128xi32, #tpu.memory_space<hbm>>, %arg3: memref<100001x128xf32, #tpu.memory_space<hbm>>, %arg4: memref<819200x128xf32, #tpu.memory_space<hbm>>, %arg5: memref<200x128xi32, #tpu.memory_space<vmem>>, %arg6: memref<768x128xf32, #tpu.memory_space<vmem>>, %arg7: memref<!tpu.dma_semaphore, #tpu.memory_space<semaphore_mem>>, %arg8: memref<!tpu.dma_semaphore, #tpu.memory_space<semaphore_mem>>) attributes {dimension_semantics = [#tpu.dimension_semantics<core_parallel>, #tpu.dimension_semantics<subcore_parallel>], iteration_bounds = array<i64: 2, 16>, scalar_prefetch = 0 : i64, scratch_operands = 4 : i64, tpu.core_type = #tpu.core_type<sc_vector_subcore>, window_params = [{transform_indices = #map}, {transform_indices = #map1}, {transform_indices = #map1}]} {
    %mul3A = arith.constant 2 : i32
    %mul3A_0 = arith.muli %arg1, %mul3A : i32
    %add3A = arith.addi %mul3A_0, %arg0 : i32
    %mul3A_1 = arith.constant 25600 : i32
    %mul3A_2 = arith.muli %add3A, %mul3A_1 : i32
    "tpu.region"() ({
      %run_scoped3A = tpu.sem_alloc : memref<!tpu.dma_semaphore, #tpu.memory_space<semaphore_mem>>
      %dma_start3A_80 = arith.constant 0 : i32
      %dma_start3A_81 = arith.constant 0 : i32
      %dma_start3A_82 = tpu.memref_slice %arg2[%add3A, %dma_start3A_80, %dma_start3A_81] : memref<32x200x128xi32, #tpu.memory_space<hbm>> -> memref<1x200x128xi32, #tpu.memory_space<hbm>>
      %dma_start3A_83 = tpu.memref_squeeze %dma_start3A_82 : memref<1x200x128xi32, #tpu.memory_space<hbm>> -> memref<200x128xi32, #tpu.memory_space<hbm>>
      %dma_start3A_84 = arith.constant 0 : i32
      %dma_start3A_85 = arith.constant 0 : i32
      %dma_start3A_86 = tpu.memref_slice %arg2[%add3A, %dma_start3A_84, %dma_start3A_85] : memref<32x200x128xi32, #tpu.memory_space<hbm>> -> memref<1x200x128xi32, #tpu.memory_space<hbm>>
      %dma_start3A_87 = tpu.memref_squeeze %dma_start3A_86 : memref<1x200x128xi32, #tpu.memory_space<hbm>> -> memref<200x128xi32, #tpu.memory_space<hbm>>
      tpu.enqueue_dma source(%dma_start3A_87 : memref<200x128xi32, #tpu.memory_space<hbm>>) target(%arg5 : memref<200x128xi32, #tpu.memory_space<vmem>>) target_semaphore(%run_scoped3A : memref<!tpu.dma_semaphore, #tpu.memory_space<semaphore_mem>>)
      %dma_wait3A_88 = arith.constant 0 : i32
      %dma_wait3A_89 = arith.constant 0 : i32
      %dma_wait3A_90 = tpu.memref_slice %arg2[%add3A, %dma_wait3A_88, %dma_wait3A_89] : memref<32x200x128xi32, #tpu.memory_space<hbm>> -> memref<1x200x128xi32, #tpu.memory_space<hbm>>
      %dma_wait3A_91 = tpu.memref_squeeze %dma_wait3A_90 : memref<1x200x128xi32, #tpu.memory_space<hbm>> -> memref<200x128xi32, #tpu.memory_space<hbm>>
      %dma_wait3A_92 = arith.constant 0 : i32
      %dma_wait3A_93 = arith.constant 0 : i32
      %dma_wait3A_94 = tpu.memref_slice %arg2[%add3A, %dma_wait3A_92, %dma_wait3A_93] : memref<32x200x128xi32, #tpu.memory_space<hbm>> -> memref<1x200x128xi32, #tpu.memory_space<hbm>>
      %dma_wait3A_95 = tpu.memref_squeeze %dma_wait3A_94 : memref<1x200x128xi32, #tpu.memory_space<hbm>> -> memref<200x128xi32, #tpu.memory_space<hbm>>
      tpu.wait_dma2 semaphore(%run_scoped3A : memref<!tpu.dma_semaphore, #tpu.memory_space<semaphore_mem>>) src(%dma_wait3A_95 : memref<200x128xi32, #tpu.memory_space<hbm>>) dst(%arg5 : memref<200x128xi32, #tpu.memory_space<vmem>>)
      tpu.yield
    }) : () -> ()
    %dma_start3A = arith.constant 0 : i32
    %dma_start3A_3 = arith.constant 0 : i32
    %dma_start3A_4 = arith.constant 0 : i32
    %dma_start3A_5 = tpu.memref_slice %arg6[%dma_start3A_3, %dma_start3A_4] : memref<768x128xf32, #tpu.memory_space<vmem>> -> memref<128x128xf32, #tpu.memory_space<vmem>>
    %dma_start3A_6 = arith.constant 0 : i32
    %dma_start3A_7 = tpu.memref_slice %arg5[%dma_start3A, %dma_start3A_6] : memref<200x128xi32, #tpu.memory_space<vmem>> -> memref<1x128xi32, #tpu.memory_space<vmem>>
    %dma_start3A_8 = tpu.memref_squeeze %dma_start3A_7 : memref<1x128xi32, #tpu.memory_space<vmem>> -> memref<128xi32, #tpu.memory_space<vmem>>
    %dma_start3A_9 = arith.constant 0 : i32
    %dma_start3A_10 = arith.constant 0 : i32
    %dma_start3A_11 = tpu.memref_slice %arg3[%dma_start3A_9, %dma_start3A_10] : memref<100001x128xf32, #tpu.memory_space<hbm>> -> memref<100001x128xf32, #tpu.memory_space<hbm>>
    tpu.enqueue_indirect_dma source(%dma_start3A_11 : memref<100001x128xf32, #tpu.memory_space<hbm>>) target(%dma_start3A_5 : memref<128x128xf32, #tpu.memory_space<vmem>>) offsets(%dma_start3A_8 : memref<128xi32, #tpu.memory_space<vmem>>) semaphore(%arg7 : memref<!tpu.dma_semaphore, #tpu.memory_space<semaphore_mem>>)
    %dma_start3A_12 = arith.constant 1 : i32
    %dma_start3A_13 = arith.constant 128 : i32
    %dma_start3A_14 = arith.constant 0 : i32
    %dma_start3A_15 = tpu.memref_slice %arg6[%dma_start3A_13, %dma_start3A_14] : memref<768x128xf32, #tpu.memory_space<vmem>> -> memref<128x128xf32, #tpu.memory_space<vmem>>
    %dma_start3A_16 = arith.constant 0 : i32
    %dma_start3A_17 = tpu.memref_slice %arg5[%dma_start3A_12, %dma_start3A_16] : memref<200x128xi32, #tpu.memory_space<vmem>> -> memref<1x128xi32, #tpu.memory_space<vmem>>
    %dma_start3A_18 = tpu.memref_squeeze %dma_start3A_17 : memref<1x128xi32, #tpu.memory_space<vmem>> -> memref<128xi32, #tpu.memory_space<vmem>>
    %dma_start3A_19 = arith.constant 0 : i32
    %dma_start3A_20 = arith.constant 0 : i32
    %dma_start3A_21 = tpu.memref_slice %arg3[%dma_start3A_19, %dma_start3A_20] : memref<100001x128xf32, #tpu.memory_space<hbm>> -> memref<100001x128xf32, #tpu.memory_space<hbm>>
    tpu.enqueue_indirect_dma source(%dma_start3A_21 : memref<100001x128xf32, #tpu.memory_space<hbm>>) target(%dma_start3A_15 : memref<128x128xf32, #tpu.memory_space<vmem>>) offsets(%dma_start3A_18 : memref<128xi32, #tpu.memory_space<vmem>>) semaphore(%arg7 : memref<!tpu.dma_semaphore, #tpu.memory_space<semaphore_mem>>)
    %dma_start3A_22 = arith.constant 2 : i32
    %dma_start3A_23 = arith.constant 256 : i32
    %dma_start3A_24 = arith.constant 0 : i32
    %dma_start3A_25 = tpu.memref_slice %arg6[%dma_start3A_23, %dma_start3A_24] : memref<768x128xf32, #tpu.memory_space<vmem>> -> memref<128x128xf32, #tpu.memory_space<vmem>>
    %dma_start3A_26 = arith.constant 0 : i32
    %dma_start3A_27 = tpu.memref_slice %arg5[%dma_start3A_22, %dma_start3A_26] : memref<200x128xi32, #tpu.memory_space<vmem>> -> memref<1x128xi32, #tpu.memory_space<vmem>>
    %dma_start3A_28 = tpu.memref_squeeze %dma_start3A_27 : memref<1x128xi32, #tpu.memory_space<vmem>> -> memref<128xi32, #tpu.memory_space<vmem>>
    %dma_start3A_29 = arith.constant 0 : i32
    %dma_start3A_30 = arith.constant 0 : i32
    %dma_start3A_31 = tpu.memref_slice %arg3[%dma_start3A_29, %dma_start3A_30] : memref<100001x128xf32, #tpu.memory_space<hbm>> -> memref<100001x128xf32, #tpu.memory_space<hbm>>
    tpu.enqueue_indirect_dma source(%dma_start3A_31 : memref<100001x128xf32, #tpu.memory_space<hbm>>) target(%dma_start3A_25 : memref<128x128xf32, #tpu.memory_space<vmem>>) offsets(%dma_start3A_28 : memref<128xi32, #tpu.memory_space<vmem>>) semaphore(%arg7 : memref<!tpu.dma_semaphore, #tpu.memory_space<semaphore_mem>>)
    %scan3A = arith.constant 0 : i32
    %scan3A_32 = arith.constant 0 : i32
    %scan3A_33 = arith.constant 200 : i32
    %scan3A_34 = arith.addi %scan3A_32, %scan3A_33 : i32
    %scan3A_35 = arith.constant 1 : i32
    scf.for %scan3A_80 = %scan3A_32 to %scan3A_34 step %scan3A_35  : i32 {
      %rem3A_81 = arith.constant 6 : i32
      %rem3A_82 = arith.remsi %scan3A_80, %rem3A_81 : i32
      %mul3A_83 = arith.constant 128 : i32
      %mul3A_84 = arith.muli %rem3A_82, %mul3A_83 : i32
      %dma_wait3A_85 = arith.constant 0 : i32
      %dma_wait3A_86 = tpu.memref_slice %arg6[%mul3A_84, %dma_wait3A_85] : memref<768x128xf32, #tpu.memory_space<vmem>> -> memref<128x128xf32, #tpu.memory_space<vmem>>
      %dma_wait3A_87 = arith.constant 0 : i32
      %dma_wait3A_88 = tpu.memref_slice %arg5[%scan3A_80, %dma_wait3A_87] : memref<200x128xi32, #tpu.memory_space<vmem>> -> memref<1x128xi32, #tpu.memory_space<vmem>>
      %dma_wait3A_89 = tpu.memref_squeeze %dma_wait3A_88 : memref<1x128xi32, #tpu.memory_space<vmem>> -> memref<128xi32, #tpu.memory_space<vmem>>
      %dma_wait3A_90 = arith.constant 0 : i32
      %dma_wait3A_91 = arith.constant 0 : i32
      %dma_wait3A_92 = tpu.memref_slice %arg3[%dma_wait3A_90, %dma_wait3A_91] : memref<100001x128xf32, #tpu.memory_space<hbm>> -> memref<100001x128xf32, #tpu.memory_space<hbm>>
      tpu.wait_indirect_dma semaphore(%arg7 : memref<!tpu.dma_semaphore, #tpu.memory_space<semaphore_mem>>) src(%dma_wait3A_92 : memref<100001x128xf32, #tpu.memory_space<hbm>>) dst(%dma_wait3A_86 : memref<128x128xf32, #tpu.memory_space<vmem>>)
      %ge3A = arith.constant 3 : i32
      %ge3A_93 = arith.cmpi sge, %scan3A_80, %ge3A : i32
      %convert_element_type3A = arith.extui %ge3A_93 : i1 to i32
      %cond3A = arith.constant 0 : i32
      %cond3A_94 = arith.cmpi ne, %convert_element_type3A, %cond3A : i32
      scf.if %cond3A_94 {
        %sub3A = arith.constant 3 : i32
        %sub3A_122 = arith.subi %scan3A_80, %sub3A : i32
        %sub3A_123 = arith.constant 3 : i32
        %sub3A_124 = arith.subi %scan3A_80, %sub3A_123 : i32
        %rem3A_125 = arith.constant 6 : i32
        %rem3A_126 = arith.remsi %sub3A_124, %rem3A_125 : i32
        %mul3A_127 = arith.constant 128 : i32
        %mul3A_128 = arith.muli %rem3A_126, %mul3A_127 : i32
        %mul3A_129 = arith.constant 128 : i32
        %mul3A_130 = arith.muli %sub3A_122, %mul3A_129 : i32
        %add3A_131 = arith.addi %mul3A_2, %mul3A_130 : i32
        %dma_wait3A_132 = arith.constant 0 : i32
        %dma_wait3A_133 = tpu.memref_slice %arg6[%mul3A_128, %dma_wait3A_132] : memref<768x128xf32, #tpu.memory_space<vmem>> -> memref<128x128xf32, #tpu.memory_space<vmem>>
        %dma_wait3A_134 = arith.constant 0 : i32
        %dma_wait3A_135 = tpu.memref_slice %arg4[%add3A_131, %dma_wait3A_134] : memref<819200x128xf32, #tpu.memory_space<hbm>> -> memref<128x128xf32, #tpu.memory_space<hbm>>
        %dma_wait3A_136 = arith.constant 0 : i32
        %dma_wait3A_137 = tpu.memref_slice %arg4[%add3A_131, %dma_wait3A_136] : memref<819200x128xf32, #tpu.memory_space<hbm>> -> memref<128x128xf32, #tpu.memory_space<hbm>>
        %dma_wait3A_138 = arith.constant 0 : i32
        %dma_wait3A_139 = tpu.memref_slice %arg6[%mul3A_128, %dma_wait3A_138] : memref<768x128xf32, #tpu.memory_space<vmem>> -> memref<128x128xf32, #tpu.memory_space<vmem>>
        tpu.wait_dma2 semaphore(%arg8 : memref<!tpu.dma_semaphore, #tpu.memory_space<semaphore_mem>>) src(%dma_wait3A_139 : memref<128x128xf32, #tpu.memory_space<vmem>>) dst(%dma_wait3A_137 : memref<128x128xf32, #tpu.memory_space<hbm>>)
      } else {
      }
      %add3A_95 = arith.constant 3 : i32
      %add3A_96 = arith.addi %scan3A_80, %add3A_95 : i32
      %lt3A = arith.constant 200 : i32
      %lt3A_97 = arith.cmpi slt, %add3A_96, %lt3A : i32
      %convert_element_type3A_98 = arith.extui %lt3A_97 : i1 to i32
      %cond3A_99 = arith.constant 0 : i32
      %cond3A_100 = arith.cmpi ne, %convert_element_type3A_98, %cond3A_99 : i32
      scf.if %cond3A_100 {
        %add3A_122 = arith.constant 3 : i32
        %add3A_123 = arith.addi %scan3A_80, %add3A_122 : i32
        %add3A_124 = arith.constant 3 : i32
        %add3A_125 = arith.addi %scan3A_80, %add3A_124 : i32
        %rem3A_126 = arith.constant 6 : i32
        %rem3A_127 = arith.remsi %add3A_125, %rem3A_126 : i32
        %mul3A_128 = arith.constant 128 : i32
        %mul3A_129 = arith.muli %rem3A_127, %mul3A_128 : i32
        %dma_start3A_130 = arith.constant 0 : i32
        %dma_start3A_131 = tpu.memref_slice %arg6[%mul3A_129, %dma_start3A_130] : memref<768x128xf32, #tpu.memory_space<vmem>> -> memref<128x128xf32, #tpu.memory_space<vmem>>
        %dma_start3A_132 = arith.constant 0 : i32
        %dma_start3A_133 = tpu.memref_slice %arg5[%add3A_123, %dma_start3A_132] : memref<200x128xi32, #tpu.memory_space<vmem>> -> memref<1x128xi32, #tpu.memory_space<vmem>>
        %dma_start3A_134 = tpu.memref_squeeze %dma_start3A_133 : memref<1x128xi32, #tpu.memory_space<vmem>> -> memref<128xi32, #tpu.memory_space<vmem>>
        %dma_start3A_135 = arith.constant 0 : i32
        %dma_start3A_136 = arith.constant 0 : i32
        %dma_start3A_137 = tpu.memref_slice %arg3[%dma_start3A_135, %dma_start3A_136] : memref<100001x128xf32, #tpu.memory_space<hbm>> -> memref<100001x128xf32, #tpu.memory_space<hbm>>
        tpu.enqueue_indirect_dma source(%dma_start3A_137 : memref<100001x128xf32, #tpu.memory_space<hbm>>) target(%dma_start3A_131 : memref<128x128xf32, #tpu.memory_space<vmem>>) offsets(%dma_start3A_134 : memref<128xi32, #tpu.memory_space<vmem>>) semaphore(%arg7 : memref<!tpu.dma_semaphore, #tpu.memory_space<semaphore_mem>>)
      } else {
      }
      %mul3A_101 = arith.constant 128 : i32
      %mul3A_102 = arith.muli %rem3A_82, %mul3A_101 : i32
      %scan3A_103 = arith.constant 0 : i32
      %scan3A_104 = arith.constant 0 : i32
      %scan3A_105 = arith.constant 128 : i32
      %scan3A_106 = arith.addi %scan3A_104, %scan3A_105 : i32
      %scan3A_107 = arith.constant 4 : i32
      scf.for %scan3A_122 = %scan3A_104 to %scan3A_106 step %scan3A_107  : i32 {
        %add3A_123 = arith.addi %mul3A_102, %scan3A_122 : i32
        %get3A = arith.index_cast %add3A_123 : i32 to index
        %get3A_124 = arith.constant 0 : index
        %get3A_125 = tpu.vector_load %arg6[%get3A, %get3A_124] {strides = array<i32>} : memref<768x128xf32, #tpu.memory_space<vmem>>, vector<1x16xf32>,
        %get3A_126 = vector.shape_cast %get3A_125 : vector<1x16xf32> to vector<16xf32>
        %mul3A_127 = arith.constant 7.07106781 : f32
        %mul3A_128 = vector.broadcast %mul3A_127 : f32 to vector<16xf32>
        %mul3A_129 = arith.mulf %get3A_126, %mul3A_128 : vector<16xf32>
        %add3A_130 = arith.addi %mul3A_102, %scan3A_122 : i32
        %swap3A = arith.index_cast %add3A_130 : i32 to index
        %swap3A_131 = arith.constant 0 : index
        %swap3A_132 = tpu.vector_load %arg6[%swap3A, %swap3A_131] {strides = array<i32>} : memref<768x128xf32, #tpu.memory_space<vmem>>, vector<1x16xf32>,
        %swap3A_133 = vector.shape_cast %swap3A_132 : vector<1x16xf32> to vector<16xf32>
        %swap3A_134 = vector.shape_cast %mul3A_129 : vector<16xf32> to vector<1x16xf32>
        tpu.vector_store %arg6[%swap3A, %swap3A_131], %swap3A_134 {strides = array<i32>} : memref<768x128xf32, #tpu.memory_space<vmem>>, vector<1x16xf32>,
        %add3A_135 = arith.addi %mul3A_102, %scan3A_122 : i32
        %get3A_136 = arith.index_cast %add3A_135 : i32 to index
        %get3A_137 = arith.constant 16 : index
        %get3A_138 = tpu.vector_load %arg6[%get3A_136, %get3A_137] {strides = array<i32>} : memref<768x128xf32, #tpu.memory_space<vmem>>, vector<1x16xf32>,
        %get3A_139 = vector.shape_cast %get3A_138 : vector<1x16xf32> to vector<16xf32>
        %mul3A_140 = arith.constant 7.07106781 : f32
        %mul3A_141 = vector.broadcast %mul3A_140 : f32 to vector<16xf32>
        %mul3A_142 = arith.mulf %get3A_139, %mul3A_141 : vector<16xf32>
        %add3A_143 = arith.addi %mul3A_102, %scan3A_122 : i32
        %swap3A_144 = arith.index_cast %add3A_143 : i32 to index
        %swap3A_145 = arith.constant 16 : index
        %swap3A_146 = tpu.vector_load %arg6[%swap3A_144, %swap3A_145] {strides = array<i32>} : memref<768x128xf32, #tpu.memory_space<vmem>>, vector<1x16xf32>,
        %swap3A_147 = vector.shape_cast %swap3A_146 : vector<1x16xf32> to vector<16xf32>
        %swap3A_148 = vector.shape_cast %mul3A_142 : vector<16xf32> to vector<1x16xf32>
        tpu.vector_store %arg6[%swap3A_144, %swap3A_145], %swap3A_148 {strides = array<i32>} : memref<768x128xf32, #tpu.memory_space<vmem>>, vector<1x16xf32>,
        %add3A_149 = arith.addi %mul3A_102, %scan3A_122 : i32
        %get3A_150 = arith.index_cast %add3A_149 : i32 to index
        %get3A_151 = arith.constant 32 : index
        %get3A_152 = tpu.vector_load %arg6[%get3A_150, %get3A_151] {strides = array<i32>} : memref<768x128xf32, #tpu.memory_space<vmem>>, vector<1x16xf32>,
        %get3A_153 = vector.shape_cast %get3A_152 : vector<1x16xf32> to vector<16xf32>
        %mul3A_154 = arith.constant 7.07106781 : f32
        %mul3A_155 = vector.broadcast %mul3A_154 : f32 to vector<16xf32>
        %mul3A_156 = arith.mulf %get3A_153, %mul3A_155 : vector<16xf32>
        %add3A_157 = arith.addi %mul3A_102, %scan3A_122 : i32
        %swap3A_158 = arith.index_cast %add3A_157 : i32 to index
        %swap3A_159 = arith.constant 32 : index
        %swap3A_160 = tpu.vector_load %arg6[%swap3A_158, %swap3A_159] {strides = array<i32>} : memref<768x128xf32, #tpu.memory_space<vmem>>, vector<1x16xf32>,
        %swap3A_161 = vector.shape_cast %swap3A_160 : vector<1x16xf32> to vector<16xf32>
        %swap3A_162 = vector.shape_cast %mul3A_156 : vector<16xf32> to vector<1x16xf32>
        tpu.vector_store %arg6[%swap3A_158, %swap3A_159], %swap3A_162 {strides = array<i32>} : memref<768x128xf32, #tpu.memory_space<vmem>>, vector<1x16xf32>,
        %add3A_163 = arith.addi %mul3A_102, %scan3A_122 : i32
        %get3A_164 = arith.index_cast %add3A_163 : i32 to index
        %get3A_165 = arith.constant 48 : index
        %get3A_166 = tpu.vector_load %arg6[%get3A_164, %get3A_165] {strides = array<i32>} : memref<768x128xf32, #tpu.memory_space<vmem>>, vector<1x16xf32>,
        %get3A_167 = vector.shape_cast %get3A_166 : vector<1x16xf32> to vector<16xf32>
        %mul3A_168 = arith.constant 7.07106781 : f32
        %mul3A_169 = vector.broadcast %mul3A_168 : f32 to vector<16xf32>
        %mul3A_170 = arith.mulf %get3A_167, %mul3A_169 : vector<16xf32>
        %add3A_171 = arith.addi %mul3A_102, %scan3A_122 : i32
        %swap3A_172 = arith.index_cast %add3A_171 : i32 to index
        %swap3A_173 = arith.constant 48 : index
        %swap3A_174 = tpu.vector_load %arg6[%swap3A_172, %swap3A_173] {strides = array<i32>} : memref<768x128xf32, #tpu.memory_space<vmem>>, vector<1x16xf32>,
        %swap3A_175 = vector.shape_cast %swap3A_174 : vector<1x16xf32> to vector<16xf32>
        %swap3A_176 = vector.shape_cast %mul3A_170 : vector<16xf32> to vector<1x16xf32>
        tpu.vector_store %arg6[%swap3A_172, %swap3A_173], %swap3A_176 {strides = array<i32>} : memref<768x128xf32, #tpu.memory_space<vmem>>, vector<1x16xf32>,
        %add3A_177 = arith.addi %mul3A_102, %scan3A_122 : i32
        %get3A_178 = arith.index_cast %add3A_177 : i32 to index
        %get3A_179 = arith.constant 64 : index
        %get3A_180 = tpu.vector_load %arg6[%get3A_178, %get3A_179] {strides = array<i32>} : memref<768x128xf32, #tpu.memory_space<vmem>>, vector<1x16xf32>,
        %get3A_181 = vector.shape_cast %get3A_180 : vector<1x16xf32> to vector<16xf32>
        %mul3A_182 = arith.constant 7.07106781 : f32
        %mul3A_183 = vector.broadcast %mul3A_182 : f32 to vector<16xf32>
        %mul3A_184 = arith.mulf %get3A_181, %mul3A_183 : vector<16xf32>
        %add3A_185 = arith.addi %mul3A_102, %scan3A_122 : i32
        %swap3A_186 = arith.index_cast %add3A_185 : i32 to index
        %swap3A_187 = arith.constant 64 : index
        %swap3A_188 = tpu.vector_load %arg6[%swap3A_186, %swap3A_187] {strides = array<i32>} : memref<768x128xf32, #tpu.memory_space<vmem>>, vector<1x16xf32>,
        %swap3A_189 = vector.shape_cast %swap3A_188 : vector<1x16xf32> to vector<16xf32>
        %swap3A_190 = vector.shape_cast %mul3A_184 : vector<16xf32> to vector<1x16xf32>
        tpu.vector_store %arg6[%swap3A_186, %swap3A_187], %swap3A_190 {strides = array<i32>} : memref<768x128xf32, #tpu.memory_space<vmem>>, vector<1x16xf32>,
        %add3A_191 = arith.addi %mul3A_102, %scan3A_122 : i32
        %get3A_192 = arith.index_cast %add3A_191 : i32 to index
        %get3A_193 = arith.constant 80 : index
        %get3A_194 = tpu.vector_load %arg6[%get3A_192, %get3A_193] {strides = array<i32>} : memref<768x128xf32, #tpu.memory_space<vmem>>, vector<1x16xf32>,
        %get3A_195 = vector.shape_cast %get3A_194 : vector<1x16xf32> to vector<16xf32>
        %mul3A_196 = arith.constant 7.07106781 : f32
        %mul3A_197 = vector.broadcast %mul3A_196 : f32 to vector<16xf32>
        %mul3A_198 = arith.mulf %get3A_195, %mul3A_197 : vector<16xf32>
        %add3A_199 = arith.addi %mul3A_102, %scan3A_122 : i32
        %swap3A_200 = arith.index_cast %add3A_199 : i32 to index
        %swap3A_201 = arith.constant 80 : index
        %swap3A_202 = tpu.vector_load %arg6[%swap3A_200, %swap3A_201] {strides = array<i32>} : memref<768x128xf32, #tpu.memory_space<vmem>>, vector<1x16xf32>,
        %swap3A_203 = vector.shape_cast %swap3A_202 : vector<1x16xf32> to vector<16xf32>
        %swap3A_204 = vector.shape_cast %mul3A_198 : vector<16xf32> to vector<1x16xf32>
        tpu.vector_store %arg6[%swap3A_200, %swap3A_201], %swap3A_204 {strides = array<i32>} : memref<768x128xf32, #tpu.memory_space<vmem>>, vector<1x16xf32>,
        %add3A_205 = arith.addi %mul3A_102, %scan3A_122 : i32
        %get3A_206 = arith.index_cast %add3A_205 : i32 to index
        %get3A_207 = arith.constant 96 : index
        %get3A_208 = tpu.vector_load %arg6[%get3A_206, %get3A_207] {strides = array<i32>} : memref<768x128xf32, #tpu.memory_space<vmem>>, vector<1x16xf32>,
        %get3A_209 = vector.shape_cast %get3A_208 : vector<1x16xf32> to vector<16xf32>
        %mul3A_210 = arith.constant 7.07106781 : f32
        %mul3A_211 = vector.broadcast %mul3A_210 : f32 to vector<16xf32>
        %mul3A_212 = arith.mulf %get3A_209, %mul3A_211 : vector<16xf32>
        %add3A_213 = arith.addi %mul3A_102, %scan3A_122 : i32
        %swap3A_214 = arith.index_cast %add3A_213 : i32 to index
        %swap3A_215 = arith.constant 96 : index
        %swap3A_216 = tpu.vector_load %arg6[%swap3A_214, %swap3A_215] {strides = array<i32>} : memref<768x128xf32, #tpu.memory_space<vmem>>, vector<1x16xf32>,
        %swap3A_217 = vector.shape_cast %swap3A_216 : vector<1x16xf32> to vector<16xf32>
        %swap3A_218 = vector.shape_cast %mul3A_212 : vector<16xf32> to vector<1x16xf32>
        tpu.vector_store %arg6[%swap3A_214, %swap3A_215], %swap3A_218 {strides = array<i32>} : memref<768x128xf32, #tpu.memory_space<vmem>>, vector<1x16xf32>,
        %add3A_219 = arith.addi %mul3A_102, %scan3A_122 : i32
        %get3A_220 = arith.index_cast %add3A_219 : i32 to index
        %get3A_221 = arith.constant 112 : index
        %get3A_222 = tpu.vector_load %arg6[%get3A_220, %get3A_221] {strides = array<i32>} : memref<768x128xf32, #tpu.memory_space<vmem>>, vector<1x16xf32>,
        %get3A_223 = vector.shape_cast %get3A_222 : vector<1x16xf32> to vector<16xf32>
        %mul3A_224 = arith.constant 7.07106781 : f32
        %mul3A_225 = vector.broadcast %mul3A_224 : f32 to vector<16xf32>
        %mul3A_226 = arith.mulf %get3A_223, %mul3A_225 : vector<16xf32>
        %add3A_227 = arith.addi %mul3A_102, %scan3A_122 : i32
        %swap3A_228 = arith.index_cast %add3A_227 : i32 to index
        %swap3A_229 = arith.constant 112 : index
        %swap3A_230 = tpu.vector_load %arg6[%swap3A_228, %swap3A_229] {strides = array<i32>} : memref<768x128xf32, #tpu.memory_space<vmem>>, vector<1x16xf32>,
        %swap3A_231 = vector.shape_cast %swap3A_230 : vector<1x16xf32> to vector<16xf32>
        %swap3A_232 = vector.shape_cast %mul3A_226 : vector<16xf32> to vector<1x16xf32>
        tpu.vector_store %arg6[%swap3A_228, %swap3A_229], %swap3A_232 {strides = array<i32>} : memref<768x128xf32, #tpu.memory_space<vmem>>, vector<1x16xf32>,
        %scan3A_233 = arith.constant 1 : i32
        %scan3A_234 = arith.addi %scan3A_122, %scan3A_233 : i32
        %add3A_235 = arith.addi %mul3A_102, %scan3A_234 : i32
        %get3A_236 = arith.index_cast %add3A_235 : i32 to index
        %get3A_237 = arith.constant 0 : index
        %get3A_238 = tpu.vector_load %arg6[%get3A_236, %get3A_237] {strides = array<i32>} : memref<768x128xf32, #tpu.memory_space<vmem>>, vector<1x16xf32>,
        %get3A_239 = vector.shape_cast %get3A_238 : vector<1x16xf32> to vector<16xf32>
        %mul3A_240 = arith.constant 7.07106781 : f32
        %mul3A_241 = vector.broadcast %mul3A_240 : f32 to vector<16xf32>
        %mul3A_242 = arith.mulf %get3A_239, %mul3A_241 : vector<16xf32>
        %add3A_243 = arith.addi %mul3A_102, %scan3A_234 : i32
        %swap3A_244 = arith.index_cast %add3A_243 : i32 to index
        %swap3A_245 = arith.constant 0 : index
        %swap3A_246 = tpu.vector_load %arg6[%swap3A_244, %swap3A_245] {strides = array<i32>} : memref<768x128xf32, #tpu.memory_space<vmem>>, vector<1x16xf32>,
        %swap3A_247 = vector.shape_cast %swap3A_246 : vector<1x16xf32> to vector<16xf32>
        %swap3A_248 = vector.shape_cast %mul3A_242 : vector<16xf32> to vector<1x16xf32>
        tpu.vector_store %arg6[%swap3A_244, %swap3A_245], %swap3A_248 {strides = array<i32>} : memref<768x128xf32, #tpu.memory_space<vmem>>, vector<1x16xf32>,
        %add3A_249 = arith.addi %mul3A_102, %scan3A_234 : i32
        %get3A_250 = arith.index_cast %add3A_249 : i32 to index
        %get3A_251 = arith.constant 16 : index
        %get3A_252 = tpu.vector_load %arg6[%get3A_250, %get3A_251] {strides = array<i32>} : memref<768x128xf32, #tpu.memory_space<vmem>>, vector<1x16xf32>,
        %get3A_253 = vector.shape_cast %get3A_252 : vector<1x16xf32> to vector<16xf32>
        %mul3A_254 = arith.constant 7.07106781 : f32
        %mul3A_255 = vector.broadcast %mul3A_254 : f32 to vector<16xf32>
        %mul3A_256 = arith.mulf %get3A_253, %mul3A_255 : vector<16xf32>
        %add3A_257 = arith.addi %mul3A_102, %scan3A_234 : i32
        %swap3A_258 = arith.index_cast %add3A_257 : i32 to index
        %swap3A_259 = arith.constant 16 : index
        %swap3A_260 = tpu.vector_load %arg6[%swap3A_258, %swap3A_259] {strides = array<i32>} : memref<768x128xf32, #tpu.memory_space<vmem>>, vector<1x16xf32>,
        %swap3A_261 = vector.shape_cast %swap3A_260 : vector<1x16xf32> to vector<16xf32>
        %swap3A_262 = vector.shape_cast %mul3A_256 : vector<16xf32> to vector<1x16xf32>
        tpu.vector_store %arg6[%swap3A_258, %swap3A_259], %swap3A_262 {strides = array<i32>} : memref<768x128xf32, #tpu.memory_space<vmem>>, vector<1x16xf32>,
        %add3A_263 = arith.addi %mul3A_102, %scan3A_234 : i32
        %get3A_264 = arith.index_cast %add3A_263 : i32 to index
        %get3A_265 = arith.constant 32 : index
        %get3A_266 = tpu.vector_load %arg6[%get3A_264, %get3A_265] {strides = array<i32>} : memref<768x128xf32, #tpu.memory_space<vmem>>, vector<1x16xf32>,
        %get3A_267 = vector.shape_cast %get3A_266 : vector<1x16xf32> to vector<16xf32>
        %mul3A_268 = arith.constant 7.07106781 : f32
        %mul3A_269 = vector.broadcast %mul3A_268 : f32 to vector<16xf32>
        %mul3A_270 = arith.mulf %get3A_267, %mul3A_269 : vector<16xf32>
        %add3A_271 = arith.addi %mul3A_102, %scan3A_234 : i32
        %swap3A_272 = arith.index_cast %add3A_271 : i32 to index
        %swap3A_273 = arith.constant 32 : index
        %swap3A_274 = tpu.vector_load %arg6[%swap3A_272, %swap3A_273] {strides = array<i32>} : memref<768x128xf32, #tpu.memory_space<vmem>>, vector<1x16xf32>,
        %swap3A_275 = vector.shape_cast %swap3A_274 : vector<1x16xf32> to vector<16xf32>
        %swap3A_276 = vector.shape_cast %mul3A_270 : vector<16xf32> to vector<1x16xf32>
        tpu.vector_store %arg6[%swap3A_272, %swap3A_273], %swap3A_276 {strides = array<i32>} : memref<768x128xf32, #tpu.memory_space<vmem>>, vector<1x16xf32>,
        %add3A_277 = arith.addi %mul3A_102, %scan3A_234 : i32
        %get3A_278 = arith.index_cast %add3A_277 : i32 to index
        %get3A_279 = arith.constant 48 : index
        %get3A_280 = tpu.vector_load %arg6[%get3A_278, %get3A_279] {strides = array<i32>} : memref<768x128xf32, #tpu.memory_space<vmem>>, vector<1x16xf32>,
        %get3A_281 = vector.shape_cast %get3A_280 : vector<1x16xf32> to vector<16xf32>
        %mul3A_282 = arith.constant 7.07106781 : f32
        %mul3A_283 = vector.broadcast %mul3A_282 : f32 to vector<16xf32>
        %mul3A_284 = arith.mulf %get3A_281, %mul3A_283 : vector<16xf32>
        %add3A_285 = arith.addi %mul3A_102, %scan3A_234 : i32
        %swap3A_286 = arith.index_cast %add3A_285 : i32 to index
        %swap3A_287 = arith.constant 48 : index
        %swap3A_288 = tpu.vector_load %arg6[%swap3A_286, %swap3A_287] {strides = array<i32>} : memref<768x128xf32, #tpu.memory_space<vmem>>, vector<1x16xf32>,
        %swap3A_289 = vector.shape_cast %swap3A_288 : vector<1x16xf32> to vector<16xf32>
        %swap3A_290 = vector.shape_cast %mul3A_284 : vector<16xf32> to vector<1x16xf32>
        tpu.vector_store %arg6[%swap3A_286, %swap3A_287], %swap3A_290 {strides = array<i32>} : memref<768x128xf32, #tpu.memory_space<vmem>>, vector<1x16xf32>,
        %add3A_291 = arith.addi %mul3A_102, %scan3A_234 : i32
        %get3A_292 = arith.index_cast %add3A_291 : i32 to index
        %get3A_293 = arith.constant 64 : index
        %get3A_294 = tpu.vector_load %arg6[%get3A_292, %get3A_293] {strides = array<i32>} : memref<768x128xf32, #tpu.memory_space<vmem>>, vector<1x16xf32>,
        %get3A_295 = vector.shape_cast %get3A_294 : vector<1x16xf32> to vector<16xf32>
        %mul3A_296 = arith.constant 7.07106781 : f32
        %mul3A_297 = vector.broadcast %mul3A_296 : f32 to vector<16xf32>
        %mul3A_298 = arith.mulf %get3A_295, %mul3A_297 : vector<16xf32>
        %add3A_299 = arith.addi %mul3A_102, %scan3A_234 : i32
        %swap3A_300 = arith.index_cast %add3A_299 : i32 to index
        %swap3A_301 = arith.constant 64 : index
        %swap3A_302 = tpu.vector_load %arg6[%swap3A_300, %swap3A_301] {strides = array<i32>} : memref<768x128xf32, #tpu.memory_space<vmem>>, vector<1x16xf32>,
        %swap3A_303 = vector.shape_cast %swap3A_302 : vector<1x16xf32> to vector<16xf32>
        %swap3A_304 = vector.shape_cast %mul3A_298 : vector<16xf32> to vector<1x16xf32>
        tpu.vector_store %arg6[%swap3A_300, %swap3A_301], %swap3A_304 {strides = array<i32>} : memref<768x128xf32, #tpu.memory_space<vmem>>, vector<1x16xf32>,
        %add3A_305 = arith.addi %mul3A_102, %scan3A_234 : i32
        %get3A_306 = arith.index_cast %add3A_305 : i32 to index
        %get3A_307 = arith.constant 80 : index
        %get3A_308 = tpu.vector_load %arg6[%get3A_306, %get3A_307] {strides = array<i32>} : memref<768x128xf32, #tpu.memory_space<vmem>>, vector<1x16xf32>,
        %get3A_309 = vector.shape_cast %get3A_308 : vector<1x16xf32> to vector<16xf32>
        %mul3A_310 = arith.constant 7.07106781 : f32
        %mul3A_311 = vector.broadcast %mul3A_310 : f32 to vector<16xf32>
        %mul3A_312 = arith.mulf %get3A_309, %mul3A_311 : vector<16xf32>
        %add3A_313 = arith.addi %mul3A_102, %scan3A_234 : i32
        %swap3A_314 = arith.index_cast %add3A_313 : i32 to index
        %swap3A_315 = arith.constant 80 : index
        %swap3A_316 = tpu.vector_load %arg6[%swap3A_314, %swap3A_315] {strides = array<i32>} : memref<768x128xf32, #tpu.memory_space<vmem>>, vector<1x16xf32>,
        %swap3A_317 = vector.shape_cast %swap3A_316 : vector<1x16xf32> to vector<16xf32>
        %swap3A_318 = vector.shape_cast %mul3A_312 : vector<16xf32> to vector<1x16xf32>
        tpu.vector_store %arg6[%swap3A_314, %swap3A_315], %swap3A_318 {strides = array<i32>} : memref<768x128xf32, #tpu.memory_space<vmem>>, vector<1x16xf32>,
        %add3A_319 = arith.addi %mul3A_102, %scan3A_234 : i32
        %get3A_320 = arith.index_cast %add3A_319 : i32 to index
        %get3A_321 = arith.constant 96 : index
        %get3A_322 = tpu.vector_load %arg6[%get3A_320, %get3A_321] {strides = array<i32>} : memref<768x128xf32, #tpu.memory_space<vmem>>, vector<1x16xf32>,
        %get3A_323 = vector.shape_cast %get3A_322 : vector<1x16xf32> to vector<16xf32>
        %mul3A_324 = arith.constant 7.07106781 : f32
        %mul3A_325 = vector.broadcast %mul3A_324 : f32 to vector<16xf32>
        %mul3A_326 = arith.mulf %get3A_323, %mul3A_325 : vector<16xf32>
        %add3A_327 = arith.addi %mul3A_102, %scan3A_234 : i32
        %swap3A_328 = arith.index_cast %add3A_327 : i32 to index
        %swap3A_329 = arith.constant 96 : index
        %swap3A_330 = tpu.vector_load %arg6[%swap3A_328, %swap3A_329] {strides = array<i32>} : memref<768x128xf32, #tpu.memory_space<vmem>>, vector<1x16xf32>,
        %swap3A_331 = vector.shape_cast %swap3A_330 : vector<1x16xf32> to vector<16xf32>
        %swap3A_332 = vector.shape_cast %mul3A_326 : vector<16xf32> to vector<1x16xf32>
        tpu.vector_store %arg6[%swap3A_328, %swap3A_329], %swap3A_332 {strides = array<i32>} : memref<768x128xf32, #tpu.memory_space<vmem>>, vector<1x16xf32>,
        %add3A_333 = arith.addi %mul3A_102, %scan3A_234 : i32
        %get3A_334 = arith.index_cast %add3A_333 : i32 to index
        %get3A_335 = arith.constant 112 : index
        %get3A_336 = tpu.vector_load %arg6[%get3A_334, %get3A_335] {strides = array<i32>} : memref<768x128xf32, #tpu.memory_space<vmem>>, vector<1x16xf32>,
        %get3A_337 = vector.shape_cast %get3A_336 : vector<1x16xf32> to vector<16xf32>
        %mul3A_338 = arith.constant 7.07106781 : f32
        %mul3A_339 = vector.broadcast %mul3A_338 : f32 to vector<16xf32>
        %mul3A_340 = arith.mulf %get3A_337, %mul3A_339 : vector<16xf32>
        %add3A_341 = arith.addi %mul3A_102, %scan3A_234 : i32
        %swap3A_342 = arith.index_cast %add3A_341 : i32 to index
        %swap3A_343 = arith.constant 112 : index
        %swap3A_344 = tpu.vector_load %arg6[%swap3A_342, %swap3A_343] {strides = array<i32>} : memref<768x128xf32, #tpu.memory_space<vmem>>, vector<1x16xf32>,
        %swap3A_345 = vector.shape_cast %swap3A_344 : vector<1x16xf32> to vector<16xf32>
        %swap3A_346 = vector.shape_cast %mul3A_340 : vector<16xf32> to vector<1x16xf32>
        tpu.vector_store %arg6[%swap3A_342, %swap3A_343], %swap3A_346 {strides = array<i32>} : memref<768x128xf32, #tpu.memory_space<vmem>>, vector<1x16xf32>,
        %scan3A_347 = arith.constant 2 : i32
        %scan3A_348 = arith.addi %scan3A_122, %scan3A_347 : i32
        %add3A_349 = arith.addi %mul3A_102, %scan3A_348 : i32
        %get3A_350 = arith.index_cast %add3A_349 : i32 to index
        %get3A_351 = arith.constant 0 : index
        %get3A_352 = tpu.vector_load %arg6[%get3A_350, %get3A_351] {strides = array<i32>} : memref<768x128xf32, #tpu.memory_space<vmem>>, vector<1x16xf32>,
        %get3A_353 = vector.shape_cast %get3A_352 : vector<1x16xf32> to vector<16xf32>
        %mul3A_354 = arith.constant 7.07106781 : f32
        %mul3A_355 = vector.broadcast %mul3A_354 : f32 to vector<16xf32>
        %mul3A_356 = arith.mulf %get3A_353, %mul3A_355 : vector<16xf32>
        %add3A_357 = arith.addi %mul3A_102, %scan3A_348 : i32
        %swap3A_358 = arith.index_cast %add3A_357 : i32 to index
        %swap3A_359 = arith.constant 0 : index
        %swap3A_360 = tpu.vector_load %arg6[%swap3A_358, %swap3A_359] {strides = array<i32>} : memref<768x128xf32, #tpu.memory_space<vmem>>, vector<1x16xf32>,
        %swap3A_361 = vector.shape_cast %swap3A_360 : vector<1x16xf32> to vector<16xf32>
        %swap3A_362 = vector.shape_cast %mul3A_356 : vector<16xf32> to vector<1x16xf32>
        tpu.vector_store %arg6[%swap3A_358, %swap3A_359], %swap3A_362 {strides = array<i32>} : memref<768x128xf32, #tpu.memory_space<vmem>>, vector<1x16xf32>,
        %add3A_363 = arith.addi %mul3A_102, %scan3A_348 : i32
        %get3A_364 = arith.index_cast %add3A_363 : i32 to index
        %get3A_365 = arith.constant 16 : index
        %get3A_366 = tpu.vector_load %arg6[%get3A_364, %get3A_365] {strides = array<i32>} : memref<768x128xf32, #tpu.memory_space<vmem>>, vector<1x16xf32>,
        %get3A_367 = vector.shape_cast %get3A_366 : vector<1x16xf32> to vector<16xf32>
        %mul3A_368 = arith.constant 7.07106781 : f32
        %mul3A_369 = vector.broadcast %mul3A_368 : f32 to vector<16xf32>
        %mul3A_370 = arith.mulf %get3A_367, %mul3A_369 : vector<16xf32>
        %add3A_371 = arith.addi %mul3A_102, %scan3A_348 : i32
        %swap3A_372 = arith.index_cast %add3A_371 : i32 to index
        %swap3A_373 = arith.constant 16 : index
        %swap3A_374 = tpu.vector_load %arg6[%swap3A_372, %swap3A_373] {strides = array<i32>} : memref<768x128xf32, #tpu.memory_space<vmem>>, vector<1x16xf32>,
        %swap3A_375 = vector.shape_cast %swap3A_374 : vector<1x16xf32> to vector<16xf32>
        %swap3A_376 = vector.shape_cast %mul3A_370 : vector<16xf32> to vector<1x16xf32>
        tpu.vector_store %arg6[%swap3A_372, %swap3A_373], %swap3A_376 {strides = array<i32>} : memref<768x128xf32, #tpu.memory_space<vmem>>, vector<1x16xf32>,
        %add3A_377 = arith.addi %mul3A_102, %scan3A_348 : i32
        %get3A_378 = arith.index_cast %add3A_377 : i32 to index
        %get3A_379 = arith.constant 32 : index
        %get3A_380 = tpu.vector_load %arg6[%get3A_378, %get3A_379] {strides = array<i32>} : memref<768x128xf32, #tpu.memory_space<vmem>>, vector<1x16xf32>,
        %get3A_381 = vector.shape_cast %get3A_380 : vector<1x16xf32> to vector<16xf32>
        %mul3A_382 = arith.constant 7.07106781 : f32
        %mul3A_383 = vector.broadcast %mul3A_382 : f32 to vector<16xf32>
        %mul3A_384 = arith.mulf %get3A_381, %mul3A_383 : vector<16xf32>
        %add3A_385 = arith.addi %mul3A_102, %scan3A_348 : i32
        %swap3A_386 = arith.index_cast %add3A_385 : i32 to index
        %swap3A_387 = arith.constant 32 : index
        %swap3A_388 = tpu.vector_load %arg6[%swap3A_386, %swap3A_387] {strides = array<i32>} : memref<768x128xf32, #tpu.memory_space<vmem>>, vector<1x16xf32>,
        %swap3A_389 = vector.shape_cast %swap3A_388 : vector<1x16xf32> to vector<16xf32>
        %swap3A_390 = vector.shape_cast %mul3A_384 : vector<16xf32> to vector<1x16xf32>
        tpu.vector_store %arg6[%swap3A_386, %swap3A_387], %swap3A_390 {strides = array<i32>} : memref<768x128xf32, #tpu.memory_space<vmem>>, vector<1x16xf32>,
        %add3A_391 = arith.addi %mul3A_102, %scan3A_348 : i32
        %get3A_392 = arith.index_cast %add3A_391 : i32 to index
        %get3A_393 = arith.constant 48 : index
        %get3A_394 = tpu.vector_load %arg6[%get3A_392, %get3A_393] {strides = array<i32>} : memref<768x128xf32, #tpu.memory_space<vmem>>, vector<1x16xf32>,
        %get3A_395 = vector.shape_cast %get3A_394 : vector<1x16xf32> to vector<16xf32>
        %mul3A_396 = arith.constant 7.07106781 : f32
        %mul3A_397 = vector.broadcast %mul3A_396 : f32 to vector<16xf32>
        %mul3A_398 = arith.mulf %get3A_395, %mul3A_397 : vector<16xf32>
        %add3A_399 = arith.addi %mul3A_102, %scan3A_348 : i32
        %swap3A_400 = arith.index_cast %add3A_399 : i32 to index
        %swap3A_401 = arith.constant 48 : index
        %swap3A_402 = tpu.vector_load %arg6[%swap3A_400, %swap3A_401] {strides = array<i32>} : memref<768x128xf32, #tpu.memory_space<vmem>>, vector<1x16xf32>,
        %swap3A_403 = vector.shape_cast %swap3A_402 : vector<1x16xf32> to vector<16xf32>
        %swap3A_404 = vector.shape_cast %mul3A_398 : vector<16xf32> to vector<1x16xf32>
        tpu.vector_store %arg6[%swap3A_400, %swap3A_401], %swap3A_404 {strides = array<i32>} : memref<768x128xf32, #tpu.memory_space<vmem>>, vector<1x16xf32>,
        %add3A_405 = arith.addi %mul3A_102, %scan3A_348 : i32
        %get3A_406 = arith.index_cast %add3A_405 : i32 to index
        %get3A_407 = arith.constant 64 : index
        %get3A_408 = tpu.vector_load %arg6[%get3A_406, %get3A_407] {strides = array<i32>} : memref<768x128xf32, #tpu.memory_space<vmem>>, vector<1x16xf32>,
        %get3A_409 = vector.shape_cast %get3A_408 : vector<1x16xf32> to vector<16xf32>
        %mul3A_410 = arith.constant 7.07106781 : f32
        %mul3A_411 = vector.broadcast %mul3A_410 : f32 to vector<16xf32>
        %mul3A_412 = arith.mulf %get3A_409, %mul3A_411 : vector<16xf32>
        %add3A_413 = arith.addi %mul3A_102, %scan3A_348 : i32
        %swap3A_414 = arith.index_cast %add3A_413 : i32 to index
        %swap3A_415 = arith.constant 64 : index
        %swap3A_416 = tpu.vector_load %arg6[%swap3A_414, %swap3A_415] {strides = array<i32>} : memref<768x128xf32, #tpu.memory_space<vmem>>, vector<1x16xf32>,
        %swap3A_417 = vector.shape_cast %swap3A_416 : vector<1x16xf32> to vector<16xf32>
        %swap3A_418 = vector.shape_cast %mul3A_412 : vector<16xf32> to vector<1x16xf32>
        tpu.vector_store %arg6[%swap3A_414, %swap3A_415], %swap3A_418 {strides = array<i32>} : memref<768x128xf32, #tpu.memory_space<vmem>>, vector<1x16xf32>,
        %add3A_419 = arith.addi %mul3A_102, %scan3A_348 : i32
        %get3A_420 = arith.index_cast %add3A_419 : i32 to index
        %get3A_421 = arith.constant 80 : index
        %get3A_422 = tpu.vector_load %arg6[%get3A_420, %get3A_421] {strides = array<i32>} : memref<768x128xf32, #tpu.memory_space<vmem>>, vector<1x16xf32>,
        %get3A_423 = vector.shape_cast %get3A_422 : vector<1x16xf32> to vector<16xf32>
        %mul3A_424 = arith.constant 7.07106781 : f32
        %mul3A_425 = vector.broadcast %mul3A_424 : f32 to vector<16xf32>
        %mul3A_426 = arith.mulf %get3A_423, %mul3A_425 : vector<16xf32>
        %add3A_427 = arith.addi %mul3A_102, %scan3A_348 : i32
        %swap3A_428 = arith.index_cast %add3A_427 : i32 to index
        %swap3A_429 = arith.constant 80 : index
        %swap3A_430 = tpu.vector_load %arg6[%swap3A_428, %swap3A_429] {strides = array<i32>} : memref<768x128xf32, #tpu.memory_space<vmem>>, vector<1x16xf32>,
        %swap3A_431 = vector.shape_cast %swap3A_430 : vector<1x16xf32> to vector<16xf32>
        %swap3A_432 = vector.shape_cast %mul3A_426 : vector<16xf32> to vector<1x16xf32>
        tpu.vector_store %arg6[%swap3A_428, %swap3A_429], %swap3A_432 {strides = array<i32>} : memref<768x128xf32, #tpu.memory_space<vmem>>, vector<1x16xf32>,
        %add3A_433 = arith.addi %mul3A_102, %scan3A_348 : i32
        %get3A_434 = arith.index_cast %add3A_433 : i32 to index
        %get3A_435 = arith.constant 96 : index
        %get3A_436 = tpu.vector_load %arg6[%get3A_434, %get3A_435] {strides = array<i32>} : memref<768x128xf32, #tpu.memory_space<vmem>>, vector<1x16xf32>,
        %get3A_437 = vector.shape_cast %get3A_436 : vector<1x16xf32> to vector<16xf32>
        %mul3A_438 = arith.constant 7.07106781 : f32
        %mul3A_439 = vector.broadcast %mul3A_438 : f32 to vector<16xf32>
        %mul3A_440 = arith.mulf %get3A_437, %mul3A_439 : vector<16xf32>
        %add3A_441 = arith.addi %mul3A_102, %scan3A_348 : i32
        %swap3A_442 = arith.index_cast %add3A_441 : i32 to index
        %swap3A_443 = arith.constant 96 : index
        %swap3A_444 = tpu.vector_load %arg6[%swap3A_442, %swap3A_443] {strides = array<i32>} : memref<768x128xf32, #tpu.memory_space<vmem>>, vector<1x16xf32>,
        %swap3A_445 = vector.shape_cast %swap3A_444 : vector<1x16xf32> to vector<16xf32>
        %swap3A_446 = vector.shape_cast %mul3A_440 : vector<16xf32> to vector<1x16xf32>
        tpu.vector_store %arg6[%swap3A_442, %swap3A_443], %swap3A_446 {strides = array<i32>} : memref<768x128xf32, #tpu.memory_space<vmem>>, vector<1x16xf32>,
        %add3A_447 = arith.addi %mul3A_102, %scan3A_348 : i32
        %get3A_448 = arith.index_cast %add3A_447 : i32 to index
        %get3A_449 = arith.constant 112 : index
        %get3A_450 = tpu.vector_load %arg6[%get3A_448, %get3A_449] {strides = array<i32>} : memref<768x128xf32, #tpu.memory_space<vmem>>, vector<1x16xf32>,
        %get3A_451 = vector.shape_cast %get3A_450 : vector<1x16xf32> to vector<16xf32>
        %mul3A_452 = arith.constant 7.07106781 : f32
        %mul3A_453 = vector.broadcast %mul3A_452 : f32 to vector<16xf32>
        %mul3A_454 = arith.mulf %get3A_451, %mul3A_453 : vector<16xf32>
        %add3A_455 = arith.addi %mul3A_102, %scan3A_348 : i32
        %swap3A_456 = arith.index_cast %add3A_455 : i32 to index
        %swap3A_457 = arith.constant 112 : index
        %swap3A_458 = tpu.vector_load %arg6[%swap3A_456, %swap3A_457] {strides = array<i32>} : memref<768x128xf32, #tpu.memory_space<vmem>>, vector<1x16xf32>,
        %swap3A_459 = vector.shape_cast %swap3A_458 : vector<1x16xf32> to vector<16xf32>
        %swap3A_460 = vector.shape_cast %mul3A_454 : vector<16xf32> to vector<1x16xf32>
        tpu.vector_store %arg6[%swap3A_456, %swap3A_457], %swap3A_460 {strides = array<i32>} : memref<768x128xf32, #tpu.memory_space<vmem>>, vector<1x16xf32>,
        %scan3A_461 = arith.constant 3 : i32
        %scan3A_462 = arith.addi %scan3A_122, %scan3A_461 : i32
        %add3A_463 = arith.addi %mul3A_102, %scan3A_462 : i32
        %get3A_464 = arith.index_cast %add3A_463 : i32 to index
        %get3A_465 = arith.constant 0 : index
        %get3A_466 = tpu.vector_load %arg6[%get3A_464, %get3A_465] {strides = array<i32>} : memref<768x128xf32, #tpu.memory_space<vmem>>, vector<1x16xf32>,
        %get3A_467 = vector.shape_cast %get3A_466 : vector<1x16xf32> to vector<16xf32>
        %mul3A_468 = arith.constant 7.07106781 : f32
        %mul3A_469 = vector.broadcast %mul3A_468 : f32 to vector<16xf32>
        %mul3A_470 = arith.mulf %get3A_467, %mul3A_469 : vector<16xf32>
        %add3A_471 = arith.addi %mul3A_102, %scan3A_462 : i32
        %swap3A_472 = arith.index_cast %add3A_471 : i32 to index
        %swap3A_473 = arith.constant 0 : index
        %swap3A_474 = tpu.vector_load %arg6[%swap3A_472, %swap3A_473] {strides = array<i32>} : memref<768x128xf32, #tpu.memory_space<vmem>>, vector<1x16xf32>,
        %swap3A_475 = vector.shape_cast %swap3A_474 : vector<1x16xf32> to vector<16xf32>
        %swap3A_476 = vector.shape_cast %mul3A_470 : vector<16xf32> to vector<1x16xf32>
        tpu.vector_store %arg6[%swap3A_472, %swap3A_473], %swap3A_476 {strides = array<i32>} : memref<768x128xf32, #tpu.memory_space<vmem>>, vector<1x16xf32>,
        %add3A_477 = arith.addi %mul3A_102, %scan3A_462 : i32
        %get3A_478 = arith.index_cast %add3A_477 : i32 to index
        %get3A_479 = arith.constant 16 : index
        %get3A_480 = tpu.vector_load %arg6[%get3A_478, %get3A_479] {strides = array<i32>} : memref<768x128xf32, #tpu.memory_space<vmem>>, vector<1x16xf32>,
        %get3A_481 = vector.shape_cast %get3A_480 : vector<1x16xf32> to vector<16xf32>
        %mul3A_482 = arith.constant 7.07106781 : f32
        %mul3A_483 = vector.broadcast %mul3A_482 : f32 to vector<16xf32>
        %mul3A_484 = arith.mulf %get3A_481, %mul3A_483 : vector<16xf32>
        %add3A_485 = arith.addi %mul3A_102, %scan3A_462 : i32
        %swap3A_486 = arith.index_cast %add3A_485 : i32 to index
        %swap3A_487 = arith.constant 16 : index
        %swap3A_488 = tpu.vector_load %arg6[%swap3A_486, %swap3A_487] {strides = array<i32>} : memref<768x128xf32, #tpu.memory_space<vmem>>, vector<1x16xf32>,
        %swap3A_489 = vector.shape_cast %swap3A_488 : vector<1x16xf32> to vector<16xf32>
        %swap3A_490 = vector.shape_cast %mul3A_484 : vector<16xf32> to vector<1x16xf32>
        tpu.vector_store %arg6[%swap3A_486, %swap3A_487], %swap3A_490 {strides = array<i32>} : memref<768x128xf32, #tpu.memory_space<vmem>>, vector<1x16xf32>,
        %add3A_491 = arith.addi %mul3A_102, %scan3A_462 : i32
        %get3A_492 = arith.index_cast %add3A_491 : i32 to index
        %get3A_493 = arith.constant 32 : index
        %get3A_494 = tpu.vector_load %arg6[%get3A_492, %get3A_493] {strides = array<i32>} : memref<768x128xf32, #tpu.memory_space<vmem>>, vector<1x16xf32>,
        %get3A_495 = vector.shape_cast %get3A_494 : vector<1x16xf32> to vector<16xf32>
        %mul3A_496 = arith.constant 7.07106781 : f32
        %mul3A_497 = vector.broadcast %mul3A_496 : f32 to vector<16xf32>
        %mul3A_498 = arith.mulf %get3A_495, %mul3A_497 : vector<16xf32>
        %add3A_499 = arith.addi %mul3A_102, %scan3A_462 : i32
        %swap3A_500 = arith.index_cast %add3A_499 : i32 to index
        %swap3A_501 = arith.constant 32 : index
        %swap3A_502 = tpu.vector_load %arg6[%swap3A_500, %swap3A_501] {strides = array<i32>} : memref<768x128xf32, #tpu.memory_space<vmem>>, vector<1x16xf32>,
        %swap3A_503 = vector.shape_cast %swap3A_502 : vector<1x16xf32> to vector<16xf32>
        %swap3A_504 = vector.shape_cast %mul3A_498 : vector<16xf32> to vector<1x16xf32>
        tpu.vector_store %arg6[%swap3A_500, %swap3A_501], %swap3A_504 {strides = array<i32>} : memref<768x128xf32, #tpu.memory_space<vmem>>, vector<1x16xf32>,
        %add3A_505 = arith.addi %mul3A_102, %scan3A_462 : i32
        %get3A_506 = arith.index_cast %add3A_505 : i32 to index
        %get3A_507 = arith.constant 48 : index
        %get3A_508 = tpu.vector_load %arg6[%get3A_506, %get3A_507] {strides = array<i32>} : memref<768x128xf32, #tpu.memory_space<vmem>>, vector<1x16xf32>,
        %get3A_509 = vector.shape_cast %get3A_508 : vector<1x16xf32> to vector<16xf32>
        %mul3A_510 = arith.constant 7.07106781 : f32
        %mul3A_511 = vector.broadcast %mul3A_510 : f32 to vector<16xf32>
        %mul3A_512 = arith.mulf %get3A_509, %mul3A_511 : vector<16xf32>
        %add3A_513 = arith.addi %mul3A_102, %scan3A_462 : i32
        %swap3A_514 = arith.index_cast %add3A_513 : i32 to index
        %swap3A_515 = arith.constant 48 : index
        %swap3A_516 = tpu.vector_load %arg6[%swap3A_514, %swap3A_515] {strides = array<i32>} : memref<768x128xf32, #tpu.memory_space<vmem>>, vector<1x16xf32>,
        %swap3A_517 = vector.shape_cast %swap3A_516 : vector<1x16xf32> to vector<16xf32>
        %swap3A_518 = vector.shape_cast %mul3A_512 : vector<16xf32> to vector<1x16xf32>
        tpu.vector_store %arg6[%swap3A_514, %swap3A_515], %swap3A_518 {strides = array<i32>} : memref<768x128xf32, #tpu.memory_space<vmem>>, vector<1x16xf32>,
        %add3A_519 = arith.addi %mul3A_102, %scan3A_462 : i32
        %get3A_520 = arith.index_cast %add3A_519 : i32 to index
        %get3A_521 = arith.constant 64 : index
        %get3A_522 = tpu.vector_load %arg6[%get3A_520, %get3A_521] {strides = array<i32>} : memref<768x128xf32, #tpu.memory_space<vmem>>, vector<1x16xf32>,
        %get3A_523 = vector.shape_cast %get3A_522 : vector<1x16xf32> to vector<16xf32>
        %mul3A_524 = arith.constant 7.07106781 : f32
        %mul3A_525 = vector.broadcast %mul3A_524 : f32 to vector<16xf32>
        %mul3A_526 = arith.mulf %get3A_523, %mul3A_525 : vector<16xf32>
        %add3A_527 = arith.addi %mul3A_102, %scan3A_462 : i32
        %swap3A_528 = arith.index_cast %add3A_527 : i32 to index
        %swap3A_529 = arith.constant 64 : index
        %swap3A_530 = tpu.vector_load %arg6[%swap3A_528, %swap3A_529] {strides = array<i32>} : memref<768x128xf32, #tpu.memory_space<vmem>>, vector<1x16xf32>,
        %swap3A_531 = vector.shape_cast %swap3A_530 : vector<1x16xf32> to vector<16xf32>
        %swap3A_532 = vector.shape_cast %mul3A_526 : vector<16xf32> to vector<1x16xf32>
        tpu.vector_store %arg6[%swap3A_528, %swap3A_529], %swap3A_532 {strides = array<i32>} : memref<768x128xf32, #tpu.memory_space<vmem>>, vector<1x16xf32>,
        %add3A_533 = arith.addi %mul3A_102, %scan3A_462 : i32
        %get3A_534 = arith.index_cast %add3A_533 : i32 to index
        %get3A_535 = arith.constant 80 : index
        %get3A_536 = tpu.vector_load %arg6[%get3A_534, %get3A_535] {strides = array<i32>} : memref<768x128xf32, #tpu.memory_space<vmem>>, vector<1x16xf32>,
        %get3A_537 = vector.shape_cast %get3A_536 : vector<1x16xf32> to vector<16xf32>
        %mul3A_538 = arith.constant 7.07106781 : f32
        %mul3A_539 = vector.broadcast %mul3A_538 : f32 to vector<16xf32>
        %mul3A_540 = arith.mulf %get3A_537, %mul3A_539 : vector<16xf32>
        %add3A_541 = arith.addi %mul3A_102, %scan3A_462 : i32
        %swap3A_542 = arith.index_cast %add3A_541 : i32 to index
        %swap3A_543 = arith.constant 80 : index
        %swap3A_544 = tpu.vector_load %arg6[%swap3A_542, %swap3A_543] {strides = array<i32>} : memref<768x128xf32, #tpu.memory_space<vmem>>, vector<1x16xf32>,
        %swap3A_545 = vector.shape_cast %swap3A_544 : vector<1x16xf32> to vector<16xf32>
        %swap3A_546 = vector.shape_cast %mul3A_540 : vector<16xf32> to vector<1x16xf32>
        tpu.vector_store %arg6[%swap3A_542, %swap3A_543], %swap3A_546 {strides = array<i32>} : memref<768x128xf32, #tpu.memory_space<vmem>>, vector<1x16xf32>,
        %add3A_547 = arith.addi %mul3A_102, %scan3A_462 : i32
        %get3A_548 = arith.index_cast %add3A_547 : i32 to index
        %get3A_549 = arith.constant 96 : index
        %get3A_550 = tpu.vector_load %arg6[%get3A_548, %get3A_549] {strides = array<i32>} : memref<768x128xf32, #tpu.memory_space<vmem>>, vector<1x16xf32>,
        %get3A_551 = vector.shape_cast %get3A_550 : vector<1x16xf32> to vector<16xf32>
        %mul3A_552 = arith.constant 7.07106781 : f32
        %mul3A_553 = vector.broadcast %mul3A_552 : f32 to vector<16xf32>
        %mul3A_554 = arith.mulf %get3A_551, %mul3A_553 : vector<16xf32>
        %add3A_555 = arith.addi %mul3A_102, %scan3A_462 : i32
        %swap3A_556 = arith.index_cast %add3A_555 : i32 to index
        %swap3A_557 = arith.constant 96 : index
        %swap3A_558 = tpu.vector_load %arg6[%swap3A_556, %swap3A_557] {strides = array<i32>} : memref<768x128xf32, #tpu.memory_space<vmem>>, vector<1x16xf32>,
        %swap3A_559 = vector.shape_cast %swap3A_558 : vector<1x16xf32> to vector<16xf32>
        %swap3A_560 = vector.shape_cast %mul3A_554 : vector<16xf32> to vector<1x16xf32>
        tpu.vector_store %arg6[%swap3A_556, %swap3A_557], %swap3A_560 {strides = array<i32>} : memref<768x128xf32, #tpu.memory_space<vmem>>, vector<1x16xf32>,
        %add3A_561 = arith.addi %mul3A_102, %scan3A_462 : i32
        %get3A_562 = arith.index_cast %add3A_561 : i32 to index
        %get3A_563 = arith.constant 112 : index
        %get3A_564 = tpu.vector_load %arg6[%get3A_562, %get3A_563] {strides = array<i32>} : memref<768x128xf32, #tpu.memory_space<vmem>>, vector<1x16xf32>,
        %get3A_565 = vector.shape_cast %get3A_564 : vector<1x16xf32> to vector<16xf32>
        %mul3A_566 = arith.constant 7.07106781 : f32
        %mul3A_567 = vector.broadcast %mul3A_566 : f32 to vector<16xf32>
        %mul3A_568 = arith.mulf %get3A_565, %mul3A_567 : vector<16xf32>
        %add3A_569 = arith.addi %mul3A_102, %scan3A_462 : i32
        %swap3A_570 = arith.index_cast %add3A_569 : i32 to index
        %swap3A_571 = arith.constant 112 : index
        %swap3A_572 = tpu.vector_load %arg6[%swap3A_570, %swap3A_571] {strides = array<i32>} : memref<768x128xf32, #tpu.memory_space<vmem>>, vector<1x16xf32>,
        %swap3A_573 = vector.shape_cast %swap3A_572 : vector<1x16xf32> to vector<16xf32>
        %swap3A_574 = vector.shape_cast %mul3A_568 : vector<16xf32> to vector<1x16xf32>
        tpu.vector_store %arg6[%swap3A_570, %swap3A_571], %swap3A_574 {strides = array<i32>} : memref<768x128xf32, #tpu.memory_space<vmem>>, vector<1x16xf32>,
      }
      %scan3A_108 = arith.constant 128 : i32
      %mul3A_109 = arith.constant 128 : i32
      %mul3A_110 = arith.muli %rem3A_82, %mul3A_109 : i32
      %mul3A_111 = arith.constant 128 : i32
      %mul3A_112 = arith.muli %scan3A_80, %mul3A_111 : i32
      %add3A_113 = arith.addi %mul3A_2, %mul3A_112 : i32
      %dma_start3A_114 = arith.constant 0 : i32
      %dma_start3A_115 = tpu.memref_slice %arg6[%mul3A_110, %dma_start3A_114] : memref<768x128xf32, #tpu.memory_space<vmem>> -> memref<128x128xf32, #tpu.memory_space<vmem>>
      %dma_start3A_116 = arith.constant 0 : i32
      %dma_start3A_117 = tpu.memref_slice %arg4[%add3A_113, %dma_start3A_116] : memref<819200x128xf32, #tpu.memory_space<hbm>> -> memref<128x128xf32, #tpu.memory_space<hbm>>
      %dma_start3A_118 = arith.constant 0 : i32
      %dma_start3A_119 = tpu.memref_slice %arg4[%add3A_113, %dma_start3A_118] : memref<819200x128xf32, #tpu.memory_space<hbm>> -> memref<128x128xf32, #tpu.memory_space<hbm>>
      %dma_start3A_120 = arith.constant 0 : i32
      %dma_start3A_121 = tpu.memref_slice %arg6[%mul3A_110, %dma_start3A_120] : memref<768x128xf32, #tpu.memory_space<vmem>> -> memref<128x128xf32, #tpu.memory_space<vmem>>
      tpu.enqueue_dma source(%dma_start3A_121 : memref<128x128xf32, #tpu.memory_space<vmem>>) target(%dma_start3A_119 : memref<128x128xf32, #tpu.memory_space<hbm>>) target_semaphore(%arg8 : memref<!tpu.dma_semaphore, #tpu.memory_space<semaphore_mem>>)
    }
    %scan3A_36 = arith.constant 200 : i32
    %rem3A = arith.constant 197 : i32
    %rem3A_37 = arith.constant 6 : i32
    %rem3A_38 = arith.remsi %rem3A, %rem3A_37 : i32
    %mul3A_39 = arith.constant 128 : i32
    %mul3A_40 = arith.muli %rem3A_38, %mul3A_39 : i32
    %add3A_41 = arith.constant 25216 : i32
    %add3A_42 = arith.addi %mul3A_2, %add3A_41 : i32
    %dma_wait3A = arith.constant 0 : i32
    %dma_wait3A_43 = tpu.memref_slice %arg6[%mul3A_40, %dma_wait3A] : memref<768x128xf32, #tpu.memory_space<vmem>> -> memref<128x128xf32, #tpu.memory_space<vmem>>
    %dma_wait3A_44 = arith.constant 0 : i32
    %dma_wait3A_45 = tpu.memref_slice %arg4[%add3A_42, %dma_wait3A_44] : memref<819200x128xf32, #tpu.memory_space<hbm>> -> memref<128x128xf32, #tpu.memory_space<hbm>>
    %dma_wait3A_46 = arith.constant 0 : i32
    %dma_wait3A_47 = tpu.memref_slice %arg4[%add3A_42, %dma_wait3A_46] : memref<819200x128xf32, #tpu.memory_space<hbm>> -> memref<128x128xf32, #tpu.memory_space<hbm>>
    %dma_wait3A_48 = arith.constant 0 : i32
    %dma_wait3A_49 = tpu.memref_slice %arg6[%mul3A_40, %dma_wait3A_48] : memref<768x128xf32, #tpu.memory_space<vmem>> -> memref<128x128xf32, #tpu.memory_space<vmem>>
    tpu.wait_dma2 semaphore(%arg8 : memref<!tpu.dma_semaphore, #tpu.memory_space<semaphore_mem>>) src(%dma_wait3A_49 : memref<128x128xf32, #tpu.memory_space<vmem>>) dst(%dma_wait3A_47 : memref<128x128xf32, #tpu.memory_space<hbm>>)
    %rem3A_50 = arith.constant 198 : i32
    %rem3A_51 = arith.constant 6 : i32
    %rem3A_52 = arith.remsi %rem3A_50, %rem3A_51 : i32
    %mul3A_53 = arith.constant 128 : i32
    %mul3A_54 = arith.muli %rem3A_52, %mul3A_53 : i32
    %add3A_55 = arith.constant 25344 : i32
    %add3A_56 = arith.addi %mul3A_2, %add3A_55 : i32
    %dma_wait3A_57 = arith.constant 0 : i32
    %dma_wait3A_58 = tpu.memref_slice %arg6[%mul3A_54, %dma_wait3A_57] : memref<768x128xf32, #tpu.memory_space<vmem>> -> memref<128x128xf32, #tpu.memory_space<vmem>>
    %dma_wait3A_59 = arith.constant 0 : i32
    %dma_wait3A_60 = tpu.memref_slice %arg4[%add3A_56, %dma_wait3A_59] : memref<819200x128xf32, #tpu.memory_space<hbm>> -> memref<128x128xf32, #tpu.memory_space<hbm>>
    %dma_wait3A_61 = arith.constant 0 : i32
    %dma_wait3A_62 = tpu.memref_slice %arg4[%add3A_56, %dma_wait3A_61] : memref<819200x128xf32, #tpu.memory_space<hbm>> -> memref<128x128xf32, #tpu.memory_space<hbm>>
    %dma_wait3A_63 = arith.constant 0 : i32
    %dma_wait3A_64 = tpu.memref_slice %arg6[%mul3A_54, %dma_wait3A_63] : memref<768x128xf32, #tpu.memory_space<vmem>> -> memref<128x128xf32, #tpu.memory_space<vmem>>
    tpu.wait_dma2 semaphore(%arg8 : memref<!tpu.dma_semaphore, #tpu.memory_space<semaphore_mem>>) src(%dma_wait3A_64 : memref<128x128xf32, #tpu.memory_space<vmem>>) dst(%dma_wait3A_62 : memref<128x128xf32, #tpu.memory_space<hbm>>)
    %rem3A_65 = arith.constant 199 : i32
    %rem3A_66 = arith.constant 6 : i32
    %rem3A_67 = arith.remsi %rem3A_65, %rem3A_66 : i32
    %mul3A_68 = arith.constant 128 : i32
    %mul3A_69 = arith.muli %rem3A_67, %mul3A_68 : i32
    %add3A_70 = arith.constant 25472 : i32
    %add3A_71 = arith.addi %mul3A_2, %add3A_70 : i32
    %dma_wait3A_72 = arith.constant 0 : i32
    %dma_wait3A_73 = tpu.memref_slice %arg6[%mul3A_69, %dma_wait3A_72] : memref<768x128xf32, #tpu.memory_space<vmem>> -> memref<128x128xf32, #tpu.memory_space<vmem>>
    %dma_wait3A_74 = arith.constant 0 : i32
    %dma_wait3A_75 = tpu.memref_slice %arg4[%add3A_71, %dma_wait3A_74] : memref<819200x128xf32, #tpu.memory_space<hbm>> -> memref<128x128xf32, #tpu.memory_space<hbm>>
    %dma_wait3A_76 = arith.constant 0 : i32
    %dma_wait3A_77 = tpu.memref_slice %arg4[%add3A_71, %dma_wait3A_76] : memref<819200x128xf32, #tpu.memory_space<hbm>> -> memref<128x128xf32, #tpu.memory_space<hbm>>
    %dma_wait3A_78 = arith.constant 0 : i32
    %dma_wait3A_79 = tpu.memref_slice %arg6[%mul3A_69, %dma_wait3A_78] : memref<768x128xf32, #tpu.memory_space<vmem>> -> memref<128x128xf32, #tpu.memory_space<vmem>>
    tpu.wait_dma2 semaphore(%arg8 : memref<!tpu.dma_semaphore, #tpu.memory_space<semaphore_mem>>) src(%dma_wait3A_79 : memref<128x128xf32, #tpu.memory_space<vmem>>) dst(%dma_wait3A_77 : memref<128x128xf32, #tpu.memory_space<hbm>>)
    return
  }
}

</mosaic_0001>

<sc_bundles>
// kernel: _emb.3.cloned.1.call-start
scs
__scs_entry_jumppad:
0x0: {  	(pc) =	sbr.rel $0x88, $3  }
0x1: {  	(tag) =	ssettag $0x0;
	lr =	simm.s32 $0x1  }
0x2: {  	[smem:$0x3F9F] =	sst lr;
	_ =	strace $0xD0000000  }
0x3: {  	_ = 	snop  }
0x4: {  	_ = 	snop  }
0x5: {  	_ = 	snop  }
0x6: {  	_ = 	snop  }
0x7: {  	_ = 	snop  }
__scs_overlays_trampoline_lowered:
0x8: {  	[smem:$0x3FAE] =	sst s0  }
0x9: {  	[smem:$0x3FAF] =	sst s1  }
0xa: {  	[smem:$0x3FB0] =	sst s2  }
0xb: {  	[smem:$0x3FB1] =	sst s3  }
0xc: {  	[smem:$0x3FB2] =	sst s4  }
0xd: {  	[smem:$0x3FB3] =	sst s5  }
0xe: {  	[smem:$0x3FB4] =	sst s6  }
0xf: {  	[smem:$0x3FB5] =	sst s7  }
0x10: {  	[smem:$0x3FB6] =	sst s8  }
0x11: {  	[smem:$0x3FB7] =	sst s9;
	s0 =	simm.s32 @!p0 $0x0  }
0x12: {  	s1 =	sld [smem:$0x3F9D];
	s0 =	simm.s32 @p0 $0x1  }
0x13: {  	[smem:$0x3FB8] =	sst s0;
	s0 =	simm.s32 @!p1 $0x0  }
0x14: {  	s2 =	sld [smem:$0x3F9C];
	s0 =	simm.s32 @p1 $0x1  }
0x15: {  	[smem:$0x3FB9] =	sst s0;
	s0 =	simm.s32 @!p2 $0x0  }
0x16: {  	s3 =	sld [smem:$0x3FDB];
	s0 =	simm.s32 @p2 $0x1  }
0x17: {  	s4 =	simm.s32 $0x1BF5;
	[smem:$0x3FBB] =	sst s0  }
0x18: {  	s0 =	sld [smem:$0x3F9E];
	_ =	swait.ge [sflag:s4], $0x0  }
0x19: {  	s7 =	sld [smem:$0x3F9F]  }
0x1a: {  	s8 =	sadd.s32 $0xFFFFE003, lr  }
0x1b: {  	s9 =	sadd.s32 $0xFFFFFEF7, lr;
	s5 =	simm.s32 $0xFFFFFFFF;
	p2 =	slt.u32 s8, $0xFFFFF086  }
0x1c: {  	p1 =	slt.u32 s9, $0xF7A;
	s5 =	simm.s32 @!p2 $0x0  }
0x1d: {  	s5 =	simm.s32 @p1 $0x1;
	p0 =	seq.s32 s7, s2  }
0x1e: {  	s7 =	smul.u32 @!p0 $0xF7A, s2;
	p2 =	seq.s32 @!p0 s5, $0x0  }
0x1f: {  	s9 =	smul.u32 $0xF7A, s1;
	s8 =	simm.s32 @!p0 $0x1BF5;
	p2 =	por !p2, p0  }
0x20: {  	[sflag:s8] =	ssyncset.s32 @!p0 $0xFFFFF086;
	s6 =	sadd.s32 @!p0 s3, s7;
	s7 =	simm.s32 @!p0 $0x108  }
0x21: {  	s3 =	sadd.s32 s3, s9;
	s6 =	sadd.s32 @!p0 $0x88, s6;
	s7 =	simm.s32 @p2 $0x1082  }
0x22: {  	[simem:s7], [sflag:s8] =	dma.local @!p0 [hbm:s6], $0xF7A  }
0x23: {  	s9 =	sor.u32 $0xD0000000, s2;
	s6 =	simm.s32 $0x108;
	_ =	swait.ge @!p0 [sflag:s8], $0x0  }
0x24: {  	s3 =	sadd.s32 $0x88, s3;
	s6 =	simm.s32 @!p1 $0x1082;
	[sflag:s4] =	ssyncset.s32 $0xFFFFF086  }
0x25: {  	[simem:s6], [sflag:s4] =	dma.local [hbm:s3], $0xF7A  }
0x26: {  	[smem:$0x3F9F] =	sst s1;
	(tag) =	ssettag s2;
	_ =	strace s9  }
0x27: {  	s1 =	sld [smem:$0x3FAF]  }
0x28: {  	s2 =	sld [smem:$0x3FB0]  }
0x29: {  	s4 =	sld [smem:$0x3FB2]  }
0x2a: {  	p0 =	seq.s32 s5, $0x0;
	s5 =	sld [smem:$0x3FB3]  }
0x2b: {  	s6 =	sld [smem:$0x3FB4]  }
0x2c: {  	s7 =	sld [smem:$0x3FB5]  }
0x2d: {  	s3 =	simm.s32 $0x108;
	s8 =	sld [smem:$0x3FB6]  }
0x2e: {  	s3 =	simm.s32 @!p0 $0x1082;
	s9 =	sld [smem:$0x3FB7]  }
0x2f: {  	lr =	sadd.s32 s0, s3;
	s0 =	sld [smem:$0x3FAE]  }
0x30: {  	s3 =	sld [smem:$0x3FB1]  }
0x31: {  	[smem:$0x3FBA] =	sst s10  }
0x32: {  	s10 =	sld [smem:$0x3FB8];
	_ =	sdelay $0x3  }
0x33: {  	p0 =	seq.s32 s10, $0x1;
	s10 =	sld [smem:$0x3FBA];
	_ =	sdelay $0x3  }
0x34: {  	[smem:$0x3FBA] =	sst s10  }
0x35: {  	s10 =	sld [smem:$0x3FB9];
	_ =	sdelay $0x3  }
0x36: {  	p1 =	seq.s32 s10, $0x1;
	s10 =	sld [smem:$0x3FBA];
	_ =	sdelay $0x3  }
0x37: {  	[smem:$0x3FBA] =	sst s10  }
0x38: {  	s10 =	sld [smem:$0x3FBB]  }
0x39: {  	_ = 	snop;
	(pc) =	sbr.ind lr, $3  }
0x3a: {  	_ = 	snop  }
0x3b: {  	_ = 	snop  }
0x3c: {  	p2 =	seq.s32 s10, $0x1;
	s10 =	sld [smem:$0x3FBA]  }
0x3d: {  	_ =	shalt  }
0x3e: {  	_ =	shalt  }
0x3f: {  	_ =	shalt  }
0x40: {  	_ =	shalt  }
0x41: {  	_ =	shalt  }
0x42: {  	_ =	shalt  }
0x43: {  	_ =	shalt  }
0x44: {  	_ =	shalt  }
0x45: {  	_ =	shalt  }
0x46: {  	_ =	shalt  }
0x47: {  	_ =	shalt  }
0x48: {  	_ =	shalt  }
0x49: {  	_ =	shalt  }
0x4a: {  	_ =	shalt  }
0x4b: {  	_ =	shalt  }
0x4c: {  	_ =	shalt  }
0x4d: {  	_ =	shalt  }
0x4e: {  	_ =	shalt  }
0x4f: {  	_ =	shalt  }
0x50: {  	_ =	shalt  }
0x51: {  	_ =	shalt  }
0x52: {  	_ =	shalt  }
0x53: {  	_ =	shalt  }
0x54: {  	_ =	shalt  }
0x55: {  	_ =	shalt  }
0x56: {  	_ =	shalt  }
0x57: {  	_ =	shalt  }
0x58: {  	_ =	shalt  }
0x59: {  	_ =	shalt  }
0x5a: {  	_ =	shalt  }
0x5b: {  	_ =	shalt  }
0x5c: {  	_ =	shalt  }
0x5d: {  	_ =	shalt  }
0x5e: {  	_ =	shalt  }
0x5f: {  	_ =	shalt  }
0x60: {  	_ =	shalt  }
0x61: {  	_ =	shalt  }
0x62: {  	_ =	shalt  }
0x63: {  	_ =	shalt  }
0x64: {  	_ =	shalt  }
0x65: {  	_ =	shalt  }
0x66: {  	_ =	shalt  }
0x67: {  	_ =	shalt  }
0x68: {  	_ =	shalt  }
0x69: {  	_ =	shalt  }
0x6a: {  	_ =	shalt  }
0x6b: {  	_ =	shalt  }
0x6c: {  	_ =	shalt  }
0x6d: {  	_ =	shalt  }
0x6e: {  	_ =	shalt  }
0x6f: {  	_ =	shalt  }
0x70: {  	_ =	shalt  }
0x71: {  	_ =	shalt  }
0x72: {  	_ =	shalt  }
0x73: {  	_ =	shalt  }
0x74: {  	_ =	shalt  }
0x75: {  	_ =	shalt  }
0x76: {  	_ =	shalt  }
0x77: {  	_ =	shalt  }
0x78: {  	_ =	shalt  }
0x79: {  	_ =	shalt  }
0x7a: {  	_ =	shalt  }
0x7b: {  	_ =	shalt  }
0x7c: {  	_ =	shalt  }
0x7d: {  	_ =	shalt  }
0x7e: {  	_ =	shalt  }
0x7f: {  	_ =	shalt  }
0x80: {  	_ =	shalt  }
0x81: {  	_ =	shalt  }
0x82: {  	_ =	shalt  }
0x83: {  	_ =	shalt  }
0x84: {  	_ =	shalt  }
0x85: {  	_ =	shalt  }
0x86: {  	_ =	shalt  }
0x87: {  	_ =	shalt  }
.Lfunc_end0:
.L_simem_size_0:
called_computation_lowered:
.L_overlay_start_0:
0x88: {  	s2 =	sld [smem:$0x3FD9]  }
0x89: {  	s3 =	sld [smem:$0x3FFE];
	_ =	sdelay $0x1  }
0x8a: {  	s1 =	srdreg.scid  }
0x8b: {  	s0 =	sand.u32 $0x1, s1  }
0x8c: {  	s18 =	sshll.u32 s0, $0xA;
	s2 =	sadd.s32 s3, s2  }
0x8d: {  	s2 =	sadd.s32 s2, s18  }
0x8e: {  	[smem:$0x3FC6] =	sst s2  }
0x8f: {  	_ = 	snop  }
0x90: {  	s2 =	sld [smem:$0x3FC9]  }
0x91: {  	s19 =	sld [smem:$0x3FC8]  }
0x92: {  	s4 =	sld [smem:$0x3FD0];
	(tm) =	ssettm $0x1  }
0x93: {  	s5 =	sld [smem:$0x3FFB];
	_ =	sdelay $0x3  }
0x94: {  	_ =	strace s5  }
0x95: {  	s5 =	sld [smem:$0x3FFC];
	_ =	sdelay $0x3  }
0x96: {  	_ =	strace s5  }
0x97: {  	s5 =	sld [smem:$0x3FFD];
	_ =	sdelay $0x3  }
0x98: {  	_ =	strace s5  }
0x99: {  	_ =	strace $0x8FFFFFFF  }
0x9a: {  	s20 =	sld [smem:$0x3FDB];
	_ =	sdelay $0x1  }
0x9b: {  	s6 =	simm.s32 $_scs_section_size  }
0x9c: {  	s7 =	simm.s32 $_size__tile_overlayer_lowered;
	s8 =	simm.s32 $_tile_overlayer_lowered  }
0x9d: {  	s23 =	simm.s32 $0x1BFF;
	s22 =	sshll.u32 s8, $0x1;
	s5 =	sadd.s32 s6, s20  }
0x9e: {  	s9 =	simm.s32 $0x0;
	s21 =	sshll.u32 s7, $0x1;
	s7 =	sadd.s32 s22, s5  }
0x9f: {  	[timem:s9], [sflag:s23] =	dma.local [hbm:s7], s21  }
0xa0: {  	_ =	swait.ge [sflag:s23], s21  }
0xa1: {  	s6 =	ssub.s32 $0x0, s21;
	[sflag:s23] =	ssyncset.done $0x0  }
0xa2: {  	[sflag:s23] =	ssyncadd.s32 s6;
	_ =	sdelay $0x1  }
0xa3: {  	s24 =	simm.s32 $0x1B8B  }
0xa4: {  	_ =	swait.ge [sflag:s24], $0x1  }
0xa5: {  	[sflag:s24] =	ssyncset.done $0x0  }
0xa6: {  	s25 =	simm.s32 $0x1B8E;
	[sflag:s24] =	ssyncadd.s32 $0xFFFFFFFF  }
0xa7: {  	s26 =	simm.s32 $execute0_lowered;
	[smem:$0x3FD2] =	sst s25  }
0xa8: {  	s6 =	sshll.u32 s26, $0x1;
	_ =	strace $0x80000046;
	[dreg:$0x1] =	wrdreg $0xFFFFFFFF  }
0xa9: {  	s28 =	simm.s32 $_size_execute0_lowered;
	s5 =	sadd.s32 s5, s6;
	[dreg:$0x0] =	wrdreg $0x0  }
0xaa: {  	s6 =	sshll.u32 s28, $0x1;
	[dreg:$0x2] =	wrdreg s5  }
0xab: {  	[dreg:$0x3] =	wrdreg s6  }
0xac: {  	[dreg:$0x4] =	wrdreg $0xC0  }
0xad: {  	_ =	task [dreg:s9], $0x5FFFF  }
0xae: {  	[dreg:$0x1] =	wrdreg $0xFFFFFFFF  }
0xaf: {  	[dreg:$0x0] =	wrdreg $0x60  }
0xb0: {  	[dreg:$0x2] =	wrdreg s2  }
0xb1: {  	[dreg:$0x3] =	wrdreg s19  }
0xb2: {  	[dreg:$0x4] =	wrdreg s4  }
0xb3: {  	[dreg:$0x5] =	wrdreg $0x9  }
0xb4: {  	_ =	task.clear_ibuf [dreg:s9], $0x6FFFF;
	_ =	strace $0x90000046  }
0xb5: {  	s29 =	simm.s32 $0x9;
	_ =	strace $0x80000048  }
0xb6: {  	_ =	swait.ge [sflag:s29], $0x1  }
0xb7: {  	[sflag:s29] =	ssyncadd.s32 $0xFFFFFFFF  }
0xb8: {  	_ =	strace $0x90000048  }
0xb9: {  	_ =	sfence  }
0xba: {  	s30 =	sld [smem:$0x0];
	_ =	sdelay $0x2  }
0xbb: {  	s31 =	sshll.u32 s1, $0xD;
	s1 =	sshrl.u32 s1, $0x2  }
0xbc: {  	s3 =	sand.u32 $0x4000, s31;
	s1 =	sadd.s32 s1, s30  }
0xbd: {  	s0 =	sor.u32 s3, s0;
	s1 =	sshll.u32 s1, $0x11  }
0xbe: {  	s0 =	sor.u32 s1, s0  }
0xbf: {  	s0 =	sadd.s32 $0x8F2B, s0  }
0xc0: {  	[sflag:s0] =	ssyncadd.remote.s32 $0x1  }
0xc1: {  	_ =	sfence.sel $0xFFFF  }
0xc2: {  	[dreg:$0x0] =	wrdreg $0xFFFFFFFF;
	(pc) =	sbr.abs _section_cstart, $3  }
0xc3: {  	[dreg:$0x1] =	wrdreg $0xFFFFFFFF  }
0xc4: {  	_ =	task.clear_ibuf [dreg:s9], $0x2FFFF;
	_ =	strace $0x9FFFFFFF  }
0xc5: {  	(tm) =	ssettm $0x7FFFFFFF  }
tec
execute0_lowered:
.L_overlay_start_1:
0x0: {  	(tag) =	ssettag $0x1  }
0x1: {  	s5 =	rddreg [dreg:$0x0]  }
0x2: {  	s2 =	rddreg [dreg:$0x1];
	s1 =	srdreg.scid  }
0x3: {  	s0 =	stileid.u32;
	s3 =	rddreg [dreg:$0x2];
	s4 =	simm.s32 $0x0  }
0x4: {  	s10 =	simm.s32 $0xA400;
	s11 =	simm.s32 $0x100;
	s12 =	simm.s32 $0xE400  }
0x5: {  	s13 =	simm.s32 $0x1;
	s6 =	sand.u32 $0x1, s1;
	s7 =	sshll.u32 s0, $0x1  }
0x6: {  	s14 =	simm.s32 $0x2;
	s15 =	simm.s32 $0x0;
	s7 =	sor.u32 s6, s7  }
0x7: {  	[smem:$0x7FF] =	sst s4;
	s6 =	ssub.s32 $0x2, s6;
	s8 =	smul.u32 $0xC80, s7  }
0x8: {  	s1 =	rddreg [dreg:$0x3];
	_ =	strace $0x80000047;
	s9 =	sshrl.u32 s6, $0x1  }
0x9: {  	s9 =	ssub.s32 s6, s9;
	s6 =	smul.u32 $0x320000, s7;
	s5 =	sadd.s32 s5, s8  }
0xa: {  	s7 =	smax.u32 s9, $0x1;
	s8 =	simm.s32 $0x3;
	s9 =	simm.s32 $0x80  }
.LBB2_1:
0xb: {  	[tilespmem:s4], [sflag:$0x3] =	stream.linear.gather [hbm4b:s5+s4], $0x6400, $0x38;
	[tilespmem:$0x1E400] =	vst v63  }
0xc: {  	_ =	swait.ge [sflag:s8], $0x6400  }
0xd: {  	[sflag:s8] =	ssyncset.done $0x0  }
0xe: {  	s16 =	simm.s32 $0x6400;
	[sflag:s8] =	ssyncadd.s32 $0xFFFF9C00  }
0xf: {  	[tilespmem:s16], [sflag:$0x1] =	stream.indirect.gather [hbm4b:s2+s9], $0x80, s4, s9, $0xb8;
	[tilespmem:$0x1E400] =	vst v63  }
0x10: {  	_ = 	snop  }
0x11: {  	[tilespmem:s10], [sflag:$0x1] =	stream.indirect.gather [hbm4b:s2+s9], $0x80, s9, s9, $0xb8;
	[tilespmem:$0x1E400] =	vst v63  }
0x12: {  	s17 =	simm.s32 $0x0  }
0x13: {  	[tilespmem:s12], [sflag:$0x1] =	stream.indirect.gather [hbm4b:s2+s9], $0x80, s11, s9, $0xb8;
	[tilespmem:$0x1E400] =	vst v63  }
.LBB2_2:
0x14: {  	_ =	swait.ge [sflag:s13], $0x4000  }
0x15: {  	p0 =	slt.u32 s17, $0x3;
	[sflag:s13] =	ssyncset.done $0x0  }
0x16: {  	s18 =	simm.s32 @!p0 $0x2;
	[sflag:s13] =	ssyncadd.s32 $0xFFFFC000  }
0x17: {  	p1 =	sgt.u32 @!p0 s17, $0xC4;
	_ =	swait.ge @!p0 [sflag:s18], $0x4000  }
0x18: {  	p1 =	por p0, !p1;
	[sflag:s18] =	ssyncset.done @!p0 $0x0  }
0x19: {  	[sflag:s18] =	ssyncadd.s32 @!p0 $0xFFFFC000;
	s18 =	sadd.s32 @p1 $0x3, s17  }
0x1a: {  	s19 =	smul.u32 @p1 $0xAB, s18;
	_ =	sdelay $0x1  }
0x1b: {  	s19 =	sshrl.u32 @p1 s19, $0xA  }
0x1c: {  	s19 =	sand.u32 @p1 $0x3F, s19  }
0x1d: {  	s19 =	smul.u32 @p1 $0x6, s19;
	_ =	sdelay $0x1  }
0x1e: {  	s19 =	ssub.s32 @p1 s18, s19  }
0x1f: {  	s19 =	sand.u32 @p1 $0xFF, s19  }
0x20: {  	s31 =	smulhi.u32 $0xAAAAAAAB, s17;
	s18 =	sshll.u32 @p1 s18, $0x7;
	s19 =	sshll.u32 @p1 s19, $0xE  }
0x21: {  	s18 =	sand.u32 @p1 $0x3FFFFF80, s18;
	s19 =	sadd.s32 @p1 $0x6400, s19  }
0x22: {  	[tilespmem:s19], [sflag:$0x1] =	stream.indirect.gather @p1 [hbm4b:s2+s9], $0x80, s18, s9, $0xb8;
	[tilespmem:$0x1E400] =	vst v63  }
0x23: {  	s18 =	sshrl.u32 s31, $0x2  }
0x24: {  	s18 =	smul.u32 $0xFFFA0000, s18;
	_ =	sdelay $0x1  }
0x25: {  	s18 =	sshra.s32 s18, $0x2  }
0x26: {  	v0 =	vmov s18;
	_ =	sdelay $0x4  }
0x27: {  	v1 =	vld.idx.msk [tilespmem:v0+s16+$0x0 ss:$0x1], $0xffff;
	_ =	sdelay $0x4  }
0x28: {  	v1 =	vmul.f32 $7.071067810e+00, v1;
	_ =	sdelay $0x1  }
0x29: {  	[tilespmem:v0+s16+$0x0 ss:$0x1] =	vst.idx.msk $0xffff, v1  }
0x2a: {  	v1 =	vld.idx.msk [tilespmem:v0+s16+$0x10 ss:$0x1], $0xffff;
	_ =	sdelay $0x4  }
0x2b: {  	v1 =	vmul.f32 $7.071067810e+00, v1;
	_ =	sdelay $0x1  }
0x2c: {  	[tilespmem:v0+s16+$0x10 ss:$0x1] =	vst.idx.msk $0xffff, v1  }
0x2d: {  	v1 =	vld.idx.msk [tilespmem:v0+s16+$0x20 ss:$0x1], $0xffff;
	_ =	sdelay $0x4  }
0x2e: {  	v1 =	vmul.f32 $7.071067810e+00, v1;
	_ =	sdelay $0x1  }
0x2f: {  	[tilespmem:v0+s16+$0x20 ss:$0x1] =	vst.idx.msk $0xffff, v1  }
0x30: {  	v1 =	vld.idx.msk [tilespmem:v0+s16+$0x30 ss:$0x1], $0xffff;
	_ =	sdelay $0x4  }
0x31: {  	v1 =	vmul.f32 $7.071067810e+00, v1;
	_ =	sdelay $0x1  }
0x32: {  	[tilespmem:v0+s16+$0x30 ss:$0x1] =	vst.idx.msk $0xffff, v1  }
0x33: {  	s22 =	sadd.s32 $0x200, s16;
	v1 =	vld.idx.msk [tilespmem:v0+s16+$0x40 ss:$0x1], $0xffff  }
0x34: {  	v2 =	vld.idx.msk [tilespmem:v0+s22+$0x0 ss:$0x1], $0xffff;
	_ =	sdelay $0x3  }
0x35: {  	v1 =	vmul.f32 $7.071067810e+00, v1  }
0x36: {  	v2 =	vmul.f32 $7.071067810e+00, v2  }
0x37: {  	[tilespmem:v0+s16+$0x40 ss:$0x1] =	vst.idx.msk $0xffff, v1  }
0x38: {  	[tilespmem:v0+s22+$0x0 ss:$0x1] =	vst.idx.msk $0xffff, v2;
	v1 =	vld.idx.msk [tilespmem:v0+s16+$0x50 ss:$0x1], $0xffff  }
0x39: {  	v2 =	vld.idx.msk [tilespmem:v0+s22+$0x10 ss:$0x1], $0xffff;
	_ =	sdelay $0x3  }
0x3a: {  	v1 =	vmul.f32 $7.071067810e+00, v1  }
0x3b: {  	v2 =	vmul.f32 $7.071067810e+00, v2  }
0x3c: {  	[tilespmem:v0+s16+$0x50 ss:$0x1] =	vst.idx.msk $0xffff, v1  }
0x3d: {  	[tilespmem:v0+s22+$0x10 ss:$0x1] =	vst.idx.msk $0xffff, v2;
	v1 =	vld.idx.msk [tilespmem:v0+s16+$0x60 ss:$0x1], $0xffff  }
0x3e: {  	v2 =	vld.idx.msk [tilespmem:v0+s22+$0x20 ss:$0x1], $0xffff;
	_ =	sdelay $0x3  }
0x3f: {  	v1 =	vmul.f32 $7.071067810e+00, v1  }
0x40: {  	v2 =	vmul.f32 $7.071067810e+00, v2  }
0x41: {  	[tilespmem:v0+s16+$0x60 ss:$0x1] =	vst.idx.msk $0xffff, v1  }
0x42: {  	[tilespmem:v0+s22+$0x20 ss:$0x1] =	vst.idx.msk $0xffff, v2;
	v1 =	vld.idx.msk [tilespmem:v0+s16+$0x70 ss:$0x1], $0xffff  }
0x43: {  	v2 =	vld.idx.msk [tilespmem:v0+s22+$0x30 ss:$0x1], $0xffff;
	_ =	sdelay $0x3  }
0x44: {  	v1 =	vmul.f32 $7.071067810e+00, v1  }
0x45: {  	v2 =	vmul.f32 $7.071067810e+00, v2  }
0x46: {  	[tilespmem:v0+s16+$0x70 ss:$0x1] =	vst.idx.msk $0xffff, v1  }
0x47: {  	[tilespmem:v0+s22+$0x30 ss:$0x1] =	vst.idx.msk $0xffff, v2;
	v1 =	vld.idx.msk [tilespmem:v0+s16+$0x80 ss:$0x1], $0xffff  }
0x48: {  	s21 =	sadd.s32 $0x200, s22;
	v2 =	vld.idx.msk [tilespmem:v0+s22+$0x40 ss:$0x1], $0xffff  }
0x49: {  	v3 =	vld.idx.msk [tilespmem:v0+s21+$0x0 ss:$0x1], $0xffff;
	_ =	sdelay $0x2  }
0x4a: {  	v1 =	vmul.f32 $7.071067810e+00, v1  }
0x4b: {  	v2 =	vmul.f32 $7.071067810e+00, v2  }
0x4c: {  	v3 =	vmul.f32 $7.071067810e+00, v3;
	[tilespmem:v0+s16+$0x80 ss:$0x1] =	vst.idx.msk $0xffff, v1  }
0x4d: {  	[tilespmem:v0+s22+$0x40 ss:$0x1] =	vst.idx.msk $0xffff, v2;
	v1 =	vld.idx.msk [tilespmem:v0+s16+$0x90 ss:$0x1], $0xffff  }
0x4e: {  	[tilespmem:v0+s21+$0x0 ss:$0x1] =	vst.idx.msk $0xffff, v3;
	v2 =	vld.idx.msk [tilespmem:v0+s22+$0x50 ss:$0x1], $0xffff  }
0x4f: {  	v3 =	vld.idx.msk [tilespmem:v0+s21+$0x10 ss:$0x1], $0xffff;
	_ =	sdelay $0x2  }
0x50: {  	v1 =	vmul.f32 $7.071067810e+00, v1  }
0x51: {  	v2 =	vmul.f32 $7.071067810e+00, v2  }
0x52: {  	v3 =	vmul.f32 $7.071067810e+00, v3;
	[tilespmem:v0+s16+$0x90 ss:$0x1] =	vst.idx.msk $0xffff, v1  }
0x53: {  	[tilespmem:v0+s22+$0x50 ss:$0x1] =	vst.idx.msk $0xffff, v2;
	v1 =	vld.idx.msk [tilespmem:v0+s16+$0xA0 ss:$0x1], $0xffff  }
0x54: {  	[tilespmem:v0+s21+$0x10 ss:$0x1] =	vst.idx.msk $0xffff, v3;
	v2 =	vld.idx.msk [tilespmem:v0+s22+$0x60 ss:$0x1], $0xffff  }
0x55: {  	v3 =	vld.idx.msk [tilespmem:v0+s21+$0x20 ss:$0x1], $0xffff;
	_ =	sdelay $0x2  }
0x56: {  	v1 =	vmul.f32 $7.071067810e+00, v1  }
0x57: {  	v2 =	vmul.f32 $7.071067810e+00, v2  }
0x58: {  	v3 =	vmul.f32 $7.071067810e+00, v3;
	[tilespmem:v0+s16+$0xA0 ss:$0x1] =	vst.idx.msk $0xffff, v1  }
0x59: {  	[tilespmem:v0+s22+$0x60 ss:$0x1] =	vst.idx.msk $0xffff, v2;
	v1 =	vld.idx.msk [tilespmem:v0+s16+$0xB0 ss:$0x1], $0xffff  }
0x5a: {  	[tilespmem:v0+s21+$0x20 ss:$0x1] =	vst.idx.msk $0xffff, v3;
	v2 =	vld.idx.msk [tilespmem:v0+s22+$0x70 ss:$0x1], $0xffff  }
0x5b: {  	v3 =	vld.idx.msk [tilespmem:v0+s21+$0x30 ss:$0x1], $0xffff;
	_ =	sdelay $0x2  }
0x5c: {  	v1 =	vmul.f32 $7.071067810e+00, v1  }
0x5d: {  	v2 =	vmul.f32 $7.071067810e+00, v2  }
0x5e: {  	v3 =	vmul.f32 $7.071067810e+00, v3;
	[tilespmem:v0+s16+$0xB0 ss:$0x1] =	vst.idx.msk $0xffff, v1  }
0x5f: {  	[tilespmem:v0+s22+$0x70 ss:$0x1] =	vst.idx.msk $0xffff, v2;
	v1 =	vld.idx.msk [tilespmem:v0+s16+$0xC0 ss:$0x1], $0xffff  }
0x60: {  	[tilespmem:v0+s21+$0x30 ss:$0x1] =	vst.idx.msk $0xffff, v3;
	v2 =	vld.idx.msk [tilespmem:v0+s22+$0x80 ss:$0x1], $0xffff  }
0x61: {  	s18 =	sadd.s32 $0x200, s21;
	v3 =	vld.idx.msk [tilespmem:v0+s21+$0x40 ss:$0x1], $0xffff  }
0x62: {  	v4 =	vld.idx.msk [tilespmem:v0+s18+$0x0 ss:$0x1], $0xffff;
	_ =	sdelay $0x1  }
0x63: {  	v1 =	vmul.f32 $7.071067810e+00, v1  }
0x64: {  	v2 =	vmul.f32 $7.071067810e+00, v2  }
0x65: {  	v3 =	vmul.f32 $7.071067810e+00, v3;
	[tilespmem:v0+s16+$0xC0 ss:$0x1] =	vst.idx.msk $0xffff, v1  }
0x66: {  	v1 =	vmul.f32 $7.071067810e+00, v4;
	[tilespmem:v0+s22+$0x80 ss:$0x1] =	vst.idx.msk $0xffff, v2;
	v2 =	vld.idx.msk [tilespmem:v0+s16+$0xD0 ss:$0x1], $0xffff  }
0x67: {  	[tilespmem:v0+s21+$0x40 ss:$0x1] =	vst.idx.msk $0xffff, v3;
	v3 =	vld.idx.msk [tilespmem:v0+s22+$0x90 ss:$0x1], $0xffff  }
0x68: {  	[tilespmem:v0+s18+$0x0 ss:$0x1] =	vst.idx.msk $0xffff, v1;
	v1 =	vld.idx.msk [tilespmem:v0+s21+$0x50 ss:$0x1], $0xffff  }
0x69: {  	v4 =	vld.idx.msk [tilespmem:v0+s18+$0x10 ss:$0x1], $0xffff;
	_ =	sdelay $0x1  }
0x6a: {  	v2 =	vmul.f32 $7.071067810e+00, v2  }
0x6b: {  	v3 =	vmul.f32 $7.071067810e+00, v3  }
0x6c: {  	v1 =	vmul.f32 $7.071067810e+00, v1;
	[tilespmem:v0+s16+$0xD0 ss:$0x1] =	vst.idx.msk $0xffff, v2  }
0x6d: {  	v2 =	vmul.f32 $7.071067810e+00, v4;
	[tilespmem:v0+s22+$0x90 ss:$0x1] =	vst.idx.msk $0xffff, v3;
	v3 =	vld.idx.msk [tilespmem:v0+s16+$0xE0 ss:$0x1], $0xffff  }
0x6e: {  	[tilespmem:v0+s21+$0x50 ss:$0x1] =	vst.idx.msk $0xffff, v1;
	v1 =	vld.idx.msk [tilespmem:v0+s22+$0xA0 ss:$0x1], $0xffff  }
0x6f: {  	[tilespmem:v0+s18+$0x10 ss:$0x1] =	vst.idx.msk $0xffff, v2;
	v2 =	vld.idx.msk [tilespmem:v0+s21+$0x60 ss:$0x1], $0xffff  }
0x70: {  	v4 =	vld.idx.msk [tilespmem:v0+s18+$0x20 ss:$0x1], $0xffff;
	_ =	sdelay $0x1  }
0x71: {  	v3 =	vmul.f32 $7.071067810e+00, v3  }
0x72: {  	v1 =	vmul.f32 $7.071067810e+00, v1  }
0x73: {  	v2 =	vmul.f32 $7.071067810e+00, v2;
	[tilespmem:v0+s16+$0xE0 ss:$0x1] =	vst.idx.msk $0xffff, v3  }
0x74: {  	v3 =	vmul.f32 $7.071067810e+00, v4;
	[tilespmem:v0+s22+$0xA0 ss:$0x1] =	vst.idx.msk $0xffff, v1;
	v1 =	vld.idx.msk [tilespmem:v0+s16+$0xF0 ss:$0x1], $0xffff  }
0x75: {  	[tilespmem:v0+s21+$0x60 ss:$0x1] =	vst.idx.msk $0xffff, v2;
	v2 =	vld.idx.msk [tilespmem:v0+s22+$0xB0 ss:$0x1], $0xffff  }
0x76: {  	[tilespmem:v0+s18+$0x20 ss:$0x1] =	vst.idx.msk $0xffff, v3;
	v3 =	vld.idx.msk [tilespmem:v0+s21+$0x70 ss:$0x1], $0xffff  }
0x77: {  	v4 =	vld.idx.msk [tilespmem:v0+s18+$0x30 ss:$0x1], $0xffff;
	_ =	sdelay $0x1  }
0x78: {  	v1 =	vmul.f32 $7.071067810e+00, v1  }
0x79: {  	v2 =	vmul.f32 $7.071067810e+00, v2  }
0x7a: {  	v3 =	vmul.f32 $7.071067810e+00, v3;
	[tilespmem:v0+s16+$0xF0 ss:$0x1] =	vst.idx.msk $0xffff, v1  }
0x7b: {  	v1 =	vmul.f32 $7.071067810e+00, v4;
	[tilespmem:v0+s22+$0xB0 ss:$0x1] =	vst.idx.msk $0xffff, v2;
	v2 =	vld.idx.msk [tilespmem:v0+s16+$0x100 ss:$0x1], $0xffff  }
0x7c: {  	[tilespmem:v0+s21+$0x70 ss:$0x1] =	vst.idx.msk $0xffff, v3;
	v3 =	vld.idx.msk [tilespmem:v0+s22+$0xC0 ss:$0x1], $0xffff  }
0x7d: {  	[tilespmem:v0+s18+$0x30 ss:$0x1] =	vst.idx.msk $0xffff, v1;
	v1 =	vld.idx.msk [tilespmem:v0+s21+$0x80 ss:$0x1], $0xffff  }
0x7e: {  	s19 =	sadd.s32 $0x200, s18;
	v4 =	vld.idx.msk [tilespmem:v0+s18+$0x40 ss:$0x1], $0xffff  }
0x7f: {  	v5 =	vld.idx.msk [tilespmem:v0+s19+$0x0 ss:$0x1], $0xffff  }
0x80: {  	v2 =	vmul.f32 $7.071067810e+00, v2  }
0x81: {  	v3 =	vmul.f32 $7.071067810e+00, v3  }
0x82: {  	v1 =	vmul.f32 $7.071067810e+00, v1;
	[tilespmem:v0+s16+$0x100 ss:$0x1] =	vst.idx.msk $0xffff, v2  }
0x83: {  	v2 =	vmul.f32 $7.071067810e+00, v4;
	[tilespmem:v0+s22+$0xC0 ss:$0x1] =	vst.idx.msk $0xffff, v3;
	v3 =	vld.idx.msk [tilespmem:v0+s16+$0x110 ss:$0x1], $0xffff  }
0x84: {  	v4 =	vmul.f32 $7.071067810e+00, v5;
	[tilespmem:v0+s21+$0x80 ss:$0x1] =	vst.idx.msk $0xffff, v1;
	v1 =	vld.idx.msk [tilespmem:v0+s22+$0xD0 ss:$0x1], $0xffff  }
0x85: {  	[tilespmem:v0+s18+$0x40 ss:$0x1] =	vst.idx.msk $0xffff, v2;
	v2 =	vld.idx.msk [tilespmem:v0+s21+$0x90 ss:$0x1], $0xffff  }
0x86: {  	[tilespmem:v0+s19+$0x0 ss:$0x1] =	vst.idx.msk $0xffff, v4;
	v4 =	vld.idx.msk [tilespmem:v0+s18+$0x50 ss:$0x1], $0xffff  }
0x87: {  	v5 =	vld.idx.msk [tilespmem:v0+s19+$0x10 ss:$0x1], $0xffff  }
0x88: {  	v3 =	vmul.f32 $7.071067810e+00, v3  }
0x89: {  	v1 =	vmul.f32 $7.071067810e+00, v1  }
0x8a: {  	v2 =	vmul.f32 $7.071067810e+00, v2;
	[tilespmem:v0+s16+$0x110 ss:$0x1] =	vst.idx.msk $0xffff, v3  }
0x8b: {  	v3 =	vmul.f32 $7.071067810e+00, v4;
	[tilespmem:v0+s22+$0xD0 ss:$0x1] =	vst.idx.msk $0xffff, v1;
	v1 =	vld.idx.msk [tilespmem:v0+s16+$0x120 ss:$0x1], $0xffff  }
0x8c: {  	v4 =	vmul.f32 $7.071067810e+00, v5;
	[tilespmem:v0+s21+$0x90 ss:$0x1] =	vst.idx.msk $0xffff, v2;
	v2 =	vld.idx.msk [tilespmem:v0+s22+$0xE0 ss:$0x1], $0xffff  }
0x8d: {  	[tilespmem:v0+s18+$0x50 ss:$0x1] =	vst.idx.msk $0xffff, v3;
	v3 =	vld.idx.msk [tilespmem:v0+s21+$0xA0 ss:$0x1], $0xffff  }
0x8e: {  	[tilespmem:v0+s19+$0x10 ss:$0x1] =	vst.idx.msk $0xffff, v4;
	v4 =	vld.idx.msk [tilespmem:v0+s18+$0x60 ss:$0x1], $0xffff  }
0x8f: {  	v5 =	vld.idx.msk [tilespmem:v0+s19+$0x20 ss:$0x1], $0xffff  }
0x90: {  	v1 =	vmul.f32 $7.071067810e+00, v1  }
0x91: {  	v2 =	vmul.f32 $7.071067810e+00, v2  }
0x92: {  	v3 =	vmul.f32 $7.071067810e+00, v3;
	[tilespmem:v0+s16+$0x120 ss:$0x1] =	vst.idx.msk $0xffff, v1  }
0x93: {  	v1 =	vmul.f32 $7.071067810e+00, v4;
	[tilespmem:v0+s22+$0xE0 ss:$0x1] =	vst.idx.msk $0xffff, v2;
	v2 =	vld.idx.msk [tilespmem:v0+s16+$0x130 ss:$0x1], $0xffff  }
0x94: {  	v4 =	vmul.f32 $7.071067810e+00, v5;
	[tilespmem:v0+s21+$0xA0 ss:$0x1] =	vst.idx.msk $0xffff, v3;
	v3 =	vld.idx.msk [tilespmem:v0+s22+$0xF0 ss:$0x1], $0xffff  }
0x95: {  	[tilespmem:v0+s18+$0x60 ss:$0x1] =	vst.idx.msk $0xffff, v1;
	v1 =	vld.idx.msk [tilespmem:v0+s21+$0xB0 ss:$0x1], $0xffff  }
0x96: {  	[tilespmem:v0+s19+$0x20 ss:$0x1] =	vst.idx.msk $0xffff, v4;
	v4 =	vld.idx.msk [tilespmem:v0+s18+$0x70 ss:$0x1], $0xffff  }
0x97: {  	v5 =	vld.idx.msk [tilespmem:v0+s19+$0x30 ss:$0x1], $0xffff  }
0x98: {  	v2 =	vmul.f32 $7.071067810e+00, v2  }
0x99: {  	v3 =	vmul.f32 $7.071067810e+00, v3  }
0x9a: {  	v1 =	vmul.f32 $7.071067810e+00, v1;
	[tilespmem:v0+s16+$0x130 ss:$0x1] =	vst.idx.msk $0xffff, v2  }
0x9b: {  	v2 =	vmul.f32 $7.071067810e+00, v4;
	[tilespmem:v0+s22+$0xF0 ss:$0x1] =	vst.idx.msk $0xffff, v3;
	v3 =	vld.idx.msk [tilespmem:v0+s16+$0x140 ss:$0x1], $0xffff  }
0x9c: {  	v4 =	vmul.f32 $7.071067810e+00, v5;
	[tilespmem:v0+s21+$0xB0 ss:$0x1] =	vst.idx.msk $0xffff, v1;
	v1 =	vld.idx.msk [tilespmem:v0+s22+$0x100 ss:$0x1], $0xffff  }
0x9d: {  	[tilespmem:v0+s18+$0x70 ss:$0x1] =	vst.idx.msk $0xffff, v2;
	v2 =	vld.idx.msk [tilespmem:v0+s21+$0xC0 ss:$0x1], $0xffff  }
0x9e: {  	[tilespmem:v0+s19+$0x30 ss:$0x1] =	vst.idx.msk $0xffff, v4;
	v4 =	vld.idx.msk [tilespmem:v0+s18+$0x80 ss:$0x1], $0xffff  }
0x9f: {  	s20 =	sadd.s32 $0x200, s19;
	v5 =	vld.idx.msk [tilespmem:v0+s19+$0x40 ss:$0x1], $0xffff  }
0xa0: {  	v6 =	vld.idx.msk [tilespmem:v0+s20+$0x0 ss:$0x1], $0xffff;
	v3 =	vmul.f32 $7.071067810e+00, v3  }
0xa1: {  	v1 =	vmul.f32 $7.071067810e+00, v1  }
0xa2: {  	v2 =	vmul.f32 $7.071067810e+00, v2;
	[tilespmem:v0+s16+$0x140 ss:$0x1] =	vst.idx.msk $0xffff, v3  }
0xa3: {  	v3 =	vmul.f32 $7.071067810e+00, v4;
	[tilespmem:v0+s22+$0x100 ss:$0x1] =	vst.idx.msk $0xffff, v1;
	v1 =	vld.idx.msk [tilespmem:v0+s16+$0x150 ss:$0x1], $0xffff  }
0xa4: {  	v4 =	vmul.f32 $7.071067810e+00, v5;
	[tilespmem:v0+s21+$0xC0 ss:$0x1] =	vst.idx.msk $0xffff, v2;
	v2 =	vld.idx.msk [tilespmem:v0+s22+$0x110 ss:$0x1], $0xffff  }
0xa5: {  	v5 =	vmul.f32 $7.071067810e+00, v6;
	[tilespmem:v0+s18+$0x80 ss:$0x1] =	vst.idx.msk $0xffff, v3;
	v3 =	vld.idx.msk [tilespmem:v0+s21+$0xD0 ss:$0x1], $0xffff  }
0xa6: {  	[tilespmem:v0+s19+$0x40 ss:$0x1] =	vst.idx.msk $0xffff, v4;
	v4 =	vld.idx.msk [tilespmem:v0+s18+$0x90 ss:$0x1], $0xffff  }
0xa7: {  	[tilespmem:v0+s20+$0x0 ss:$0x1] =	vst.idx.msk $0xffff, v5;
	v5 =	vld.idx.msk [tilespmem:v0+s19+$0x50 ss:$0x1], $0xffff  }
0xa8: {  	v6 =	vld.idx.msk [tilespmem:v0+s20+$0x10 ss:$0x1], $0xffff;
	v1 =	vmul.f32 $7.071067810e+00, v1  }
0xa9: {  	v2 =	vmul.f32 $7.071067810e+00, v2  }
0xaa: {  	v3 =	vmul.f32 $7.071067810e+00, v3;
	[tilespmem:v0+s16+$0x150 ss:$0x1] =	vst.idx.msk $0xffff, v1  }
0xab: {  	v1 =	vmul.f32 $7.071067810e+00, v4;
	[tilespmem:v0+s22+$0x110 ss:$0x1] =	vst.idx.msk $0xffff, v2;
	v2 =	vld.idx.msk [tilespmem:v0+s16+$0x160 ss:$0x1], $0xffff  }
0xac: {  	v4 =	vmul.f32 $7.071067810e+00, v5;
	[tilespmem:v0+s21+$0xD0 ss:$0x1] =	vst.idx.msk $0xffff, v3;
	v3 =	vld.idx.msk [tilespmem:v0+s22+$0x120 ss:$0x1], $0xffff  }
0xad: {  	v5 =	vmul.f32 $7.071067810e+00, v6;
	[tilespmem:v0+s18+$0x90 ss:$0x1] =	vst.idx.msk $0xffff, v1;
	v1 =	vld.idx.msk [tilespmem:v0+s21+$0xE0 ss:$0x1], $0xffff  }
0xae: {  	[tilespmem:v0+s19+$0x50 ss:$0x1] =	vst.idx.msk $0xffff, v4;
	v4 =	vld.idx.msk [tilespmem:v0+s18+$0xA0 ss:$0x1], $0xffff  }
0xaf: {  	[tilespmem:v0+s20+$0x10 ss:$0x1] =	vst.idx.msk $0xffff, v5;
	v5 =	vld.idx.msk [tilespmem:v0+s19+$0x60 ss:$0x1], $0xffff  }
0xb0: {  	v6 =	vld.idx.msk [tilespmem:v0+s20+$0x20 ss:$0x1], $0xffff;
	v2 =	vmul.f32 $7.071067810e+00, v2  }
0xb1: {  	v3 =	vmul.f32 $7.071067810e+00, v3  }
0xb2: {  	v1 =	vmul.f32 $7.071067810e+00, v1;
	[tilespmem:v0+s16+$0x160 ss:$0x1] =	vst.idx.msk $0xffff, v2  }
0xb3: {  	v2 =	vmul.f32 $7.071067810e+00, v4;
	[tilespmem:v0+s22+$0x120 ss:$0x1] =	vst.idx.msk $0xffff, v3;
	v3 =	vld.idx.msk [tilespmem:v0+s16+$0x170 ss:$0x1], $0xffff  }
0xb4: {  	v4 =	vmul.f32 $7.071067810e+00, v5;
	[tilespmem:v0+s21+$0xE0 ss:$0x1] =	vst.idx.msk $0xffff, v1;
	v1 =	vld.idx.msk [tilespmem:v0+s22+$0x130 ss:$0x1], $0xffff  }
0xb5: {  	v5 =	vmul.f32 $7.071067810e+00, v6;
	[tilespmem:v0+s18+$0xA0 ss:$0x1] =	vst.idx.msk $0xffff, v2;
	v2 =	vld.idx.msk [tilespmem:v0+s21+$0xF0 ss:$0x1], $0xffff  }
0xb6: {  	[tilespmem:v0+s19+$0x60 ss:$0x1] =	vst.idx.msk $0xffff, v4;
	v4 =	vld.idx.msk [tilespmem:v0+s18+$0xB0 ss:$0x1], $0xffff  }
0xb7: {  	[tilespmem:v0+s20+$0x20 ss:$0x1] =	vst.idx.msk $0xffff, v5;
	v5 =	vld.idx.msk [tilespmem:v0+s19+$0x70 ss:$0x1], $0xffff  }
0xb8: {  	v6 =	vld.idx.msk [tilespmem:v0+s20+$0x30 ss:$0x1], $0xffff;
	v3 =	vmul.f32 $7.071067810e+00, v3  }
0xb9: {  	v1 =	vmul.f32 $7.071067810e+00, v1  }
0xba: {  	v2 =	vmul.f32 $7.071067810e+00, v2;
	[tilespmem:v0+s16+$0x170 ss:$0x1] =	vst.idx.msk $0xffff, v3  }
0xbb: {  	v3 =	vmul.f32 $7.071067810e+00, v4;
	[tilespmem:v0+s22+$0x130 ss:$0x1] =	vst.idx.msk $0xffff, v1;
	v1 =	vld.idx.msk [tilespmem:v0+s16+$0x180 ss:$0x1], $0xffff  }
0xbc: {  	v4 =	vmul.f32 $7.071067810e+00, v5;
	[tilespmem:v0+s21+$0xF0 ss:$0x1] =	vst.idx.msk $0xffff, v2;
	v2 =	vld.idx.msk [tilespmem:v0+s22+$0x140 ss:$0x1], $0xffff  }
0xbd: {  	v5 =	vmul.f32 $7.071067810e+00, v6;
	[tilespmem:v0+s18+$0xB0 ss:$0x1] =	vst.idx.msk $0xffff, v3;
	v3 =	vld.idx.msk [tilespmem:v0+s21+$0x100 ss:$0x1], $0xffff  }
0xbe: {  	[tilespmem:v0+s19+$0x70 ss:$0x1] =	vst.idx.msk $0xffff, v4;
	v4 =	vld.idx.msk [tilespmem:v0+s18+$0xC0 ss:$0x1], $0xffff  }
0xbf: {  	[tilespmem:v0+s20+$0x30 ss:$0x1] =	vst.idx.msk $0xffff, v5;
	v5 =	vld.idx.msk [tilespmem:v0+s19+$0x80 ss:$0x1], $0xffff  }
0xc0: {  	s23 =	sadd.s32 $0x200, s20;
	v6 =	vld.idx.msk [tilespmem:v0+s20+$0x40 ss:$0x1], $0xffff;
	v1 =	vmul.f32 $7.071067810e+00, v1  }
0xc1: {  	v7 =	vld.idx.msk [tilespmem:v0+s23+$0x0 ss:$0x1], $0xffff;
	v2 =	vmul.f32 $7.071067810e+00, v2  }
0xc2: {  	v3 =	vmul.f32 $7.071067810e+00, v3;
	[tilespmem:v0+s16+$0x180 ss:$0x1] =	vst.idx.msk $0xffff, v1  }
0xc3: {  	v1 =	vmul.f32 $7.071067810e+00, v4;
	[tilespmem:v0+s22+$0x140 ss:$0x1] =	vst.idx.msk $0xffff, v2;
	v2 =	vld.idx.msk [tilespmem:v0+s16+$0x190 ss:$0x1], $0xffff  }
0xc4: {  	v4 =	vmul.f32 $7.071067810e+00, v5;
	[tilespmem:v0+s21+$0x100 ss:$0x1] =	vst.idx.msk $0xffff, v3;
	v3 =	vld.idx.msk [tilespmem:v0+s22+$0x150 ss:$0x1], $0xffff  }
0xc5: {  	v5 =	vmul.f32 $7.071067810e+00, v6;
	[tilespmem:v0+s18+$0xC0 ss:$0x1] =	vst.idx.msk $0xffff, v1;
	v1 =	vld.idx.msk [tilespmem:v0+s21+$0x110 ss:$0x1], $0xffff  }
0xc6: {  	v6 =	vmul.f32 $7.071067810e+00, v7;
	[tilespmem:v0+s19+$0x80 ss:$0x1] =	vst.idx.msk $0xffff, v4;
	v4 =	vld.idx.msk [tilespmem:v0+s18+$0xD0 ss:$0x1], $0xffff  }
0xc7: {  	[tilespmem:v0+s20+$0x40 ss:$0x1] =	vst.idx.msk $0xffff, v5;
	v5 =	vld.idx.msk [tilespmem:v0+s19+$0x90 ss:$0x1], $0xffff  }
0xc8: {  	[tilespmem:v0+s23+$0x0 ss:$0x1] =	vst.idx.msk $0xffff, v6;
	v6 =	vld.idx.msk [tilespmem:v0+s20+$0x50 ss:$0x1], $0xffff;
	v2 =	vmul.f32 $7.071067810e+00, v2  }
0xc9: {  	v7 =	vld.idx.msk [tilespmem:v0+s23+$0x10 ss:$0x1], $0xffff;
	v3 =	vmul.f32 $7.071067810e+00, v3  }
0xca: {  	v1 =	vmul.f32 $7.071067810e+00, v1;
	[tilespmem:v0+s16+$0x190 ss:$0x1] =	vst.idx.msk $0xffff, v2  }
0xcb: {  	v2 =	vmul.f32 $7.071067810e+00, v4;
	[tilespmem:v0+s22+$0x150 ss:$0x1] =	vst.idx.msk $0xffff, v3;
	v3 =	vld.idx.msk [tilespmem:v0+s16+$0x1A0 ss:$0x1], $0xffff  }
0xcc: {  	v4 =	vmul.f32 $7.071067810e+00, v5;
	[tilespmem:v0+s21+$0x110 ss:$0x1] =	vst.idx.msk $0xffff, v1;
	v1 =	vld.idx.msk [tilespmem:v0+s22+$0x160 ss:$0x1], $0xffff  }
0xcd: {  	v5 =	vmul.f32 $7.071067810e+00, v6;
	[tilespmem:v0+s18+$0xD0 ss:$0x1] =	vst.idx.msk $0xffff, v2;
	v2 =	vld.idx.msk [tilespmem:v0+s21+$0x120 ss:$0x1], $0xffff  }
0xce: {  	v6 =	vmul.f32 $7.071067810e+00, v7;
	[tilespmem:v0+s19+$0x90 ss:$0x1] =	vst.idx.msk $0xffff, v4;
	v4 =	vld.idx.msk [tilespmem:v0+s18+$0xE0 ss:$0x1], $0xffff  }
0xcf: {  	[tilespmem:v0+s20+$0x50 ss:$0x1] =	vst.idx.msk $0xffff, v5;
	v5 =	vld.idx.msk [tilespmem:v0+s19+$0xA0 ss:$0x1], $0xffff  }
0xd0: {  	[tilespmem:v0+s23+$0x10 ss:$0x1] =	vst.idx.msk $0xffff, v6;
	v6 =	vld.idx.msk [tilespmem:v0+s20+$0x60 ss:$0x1], $0xffff;
	v3 =	vmul.f32 $7.071067810e+00, v3  }
0xd1: {  	v7 =	vld.idx.msk [tilespmem:v0+s23+$0x20 ss:$0x1], $0xffff;
	v1 =	vmul.f32 $7.071067810e+00, v1  }
0xd2: {  	v2 =	vmul.f32 $7.071067810e+00, v2;
	[tilespmem:v0+s16+$0x1A0 ss:$0x1] =	vst.idx.msk $0xffff, v3  }
0xd3: {  	v3 =	vmul.f32 $7.071067810e+00, v4;
	[tilespmem:v0+s22+$0x160 ss:$0x1] =	vst.idx.msk $0xffff, v1;
	v1 =	vld.idx.msk [tilespmem:v0+s16+$0x1B0 ss:$0x1], $0xffff  }
0xd4: {  	v4 =	vmul.f32 $7.071067810e+00, v5;
	[tilespmem:v0+s21+$0x120 ss:$0x1] =	vst.idx.msk $0xffff, v2;
	v2 =	vld.idx.msk [tilespmem:v0+s22+$0x170 ss:$0x1], $0xffff  }
0xd5: {  	v5 =	vmul.f32 $7.071067810e+00, v6;
	[tilespmem:v0+s18+$0xE0 ss:$0x1] =	vst.idx.msk $0xffff, v3;
	v3 =	vld.idx.msk [tilespmem:v0+s21+$0x130 ss:$0x1], $0xffff  }
0xd6: {  	v6 =	vmul.f32 $7.071067810e+00, v7;
	[tilespmem:v0+s19+$0xA0 ss:$0x1] =	vst.idx.msk $0xffff, v4;
	v4 =	vld.idx.msk [tilespmem:v0+s18+$0xF0 ss:$0x1], $0xffff  }
0xd7: {  	[tilespmem:v0+s20+$0x60 ss:$0x1] =	vst.idx.msk $0xffff, v5;
	v5 =	vld.idx.msk [tilespmem:v0+s19+$0xB0 ss:$0x1], $0xffff  }
0xd8: {  	[tilespmem:v0+s23+$0x20 ss:$0x1] =	vst.idx.msk $0xffff, v6;
	v6 =	vld.idx.msk [tilespmem:v0+s20+$0x70 ss:$0x1], $0xffff;
	v1 =	vmul.f32 $7.071067810e+00, v1  }
0xd9: {  	v7 =	vld.idx.msk [tilespmem:v0+s23+$0x30 ss:$0x1], $0xffff;
	v2 =	vmul.f32 $7.071067810e+00, v2  }
0xda: {  	v3 =	vmul.f32 $7.071067810e+00, v3;
	[tilespmem:v0+s16+$0x1B0 ss:$0x1] =	vst.idx.msk $0xffff, v1  }
0xdb: {  	v1 =	vmul.f32 $7.071067810e+00, v4;
	[tilespmem:v0+s22+$0x170 ss:$0x1] =	vst.idx.msk $0xffff, v2;
	v2 =	vld.idx.msk [tilespmem:v0+s16+$0x1C0 ss:$0x1], $0xffff  }
0xdc: {  	v4 =	vmul.f32 $7.071067810e+00, v5;
	[tilespmem:v0+s21+$0x130 ss:$0x1] =	vst.idx.msk $0xffff, v3;
	v3 =	vld.idx.msk [tilespmem:v0+s22+$0x180 ss:$0x1], $0xffff  }
0xdd: {  	v5 =	vmul.f32 $7.071067810e+00, v6;
	[tilespmem:v0+s18+$0xF0 ss:$0x1] =	vst.idx.msk $0xffff, v1;
	v1 =	vld.idx.msk [tilespmem:v0+s21+$0x140 ss:$0x1], $0xffff  }
0xde: {  	v6 =	vmul.f32 $7.071067810e+00, v7;
	[tilespmem:v0+s19+$0xB0 ss:$0x1] =	vst.idx.msk $0xffff, v4;
	v4 =	vld.idx.msk [tilespmem:v0+s18+$0x100 ss:$0x1], $0xffff  }
0xdf: {  	[tilespmem:v0+s20+$0x70 ss:$0x1] =	vst.idx.msk $0xffff, v5;
	v5 =	vld.idx.msk [tilespmem:v0+s19+$0xC0 ss:$0x1], $0xffff  }
0xe0: {  	[tilespmem:v0+s23+$0x30 ss:$0x1] =	vst.idx.msk $0xffff, v6;
	v6 =	vld.idx.msk [tilespmem:v0+s20+$0x80 ss:$0x1], $0xffff;
	v2 =	vmul.f32 $7.071067810e+00, v2  }
0xe1: {  	s24 =	sadd.s32 $0x200, s23;
	v7 =	vld.idx.msk [tilespmem:v0+s23+$0x40 ss:$0x1], $0xffff;
	v3 =	vmul.f32 $7.071067810e+00, v3  }
0xe2: {  	v8 =	vld.idx.msk [tilespmem:v0+s24+$0x0 ss:$0x1], $0xffff;
	v1 =	vmul.f32 $7.071067810e+00, v1;
	[tilespmem:v0+s16+$0x1C0 ss:$0x1] =	vst.idx.msk $0xffff, v2  }
0xe3: {  	v2 =	vmul.f32 $7.071067810e+00, v4;
	[tilespmem:v0+s22+$0x180 ss:$0x1] =	vst.idx.msk $0xffff, v3;
	v3 =	vld.idx.msk [tilespmem:v0+s16+$0x1D0 ss:$0x1], $0xffff  }
0xe4: {  	v4 =	vmul.f32 $7.071067810e+00, v5;
	[tilespmem:v0+s21+$0x140 ss:$0x1] =	vst.idx.msk $0xffff, v1;
	v1 =	vld.idx.msk [tilespmem:v0+s22+$0x190 ss:$0x1], $0xffff  }
0xe5: {  	v5 =	vmul.f32 $7.071067810e+00, v6;
	[tilespmem:v0+s18+$0x100 ss:$0x1] =	vst.idx.msk $0xffff, v2;
	v2 =	vld.idx.msk [tilespmem:v0+s21+$0x150 ss:$0x1], $0xffff  }
0xe6: {  	v6 =	vmul.f32 $7.071067810e+00, v7;
	[tilespmem:v0+s19+$0xC0 ss:$0x1] =	vst.idx.msk $0xffff, v4;
	v4 =	vld.idx.msk [tilespmem:v0+s18+$0x110 ss:$0x1], $0xffff  }
0xe7: {  	v7 =	vmul.f32 $7.071067810e+00, v8;
	[tilespmem:v0+s20+$0x80 ss:$0x1] =	vst.idx.msk $0xffff, v5;
	v5 =	vld.idx.msk [tilespmem:v0+s19+$0xD0 ss:$0x1], $0xffff  }
0xe8: {  	[tilespmem:v0+s23+$0x40 ss:$0x1] =	vst.idx.msk $0xffff, v6;
	v6 =	vld.idx.msk [tilespmem:v0+s20+$0x90 ss:$0x1], $0xffff;
	v3 =	vmul.f32 $7.071067810e+00, v3  }
0xe9: {  	[tilespmem:v0+s24+$0x0 ss:$0x1] =	vst.idx.msk $0xffff, v7;
	v7 =	vld.idx.msk [tilespmem:v0+s23+$0x50 ss:$0x1], $0xffff;
	v1 =	vmul.f32 $7.071067810e+00, v1  }
0xea: {  	v8 =	vld.idx.msk [tilespmem:v0+s24+$0x10 ss:$0x1], $0xffff;
	v2 =	vmul.f32 $7.071067810e+00, v2;
	[tilespmem:v0+s16+$0x1D0 ss:$0x1] =	vst.idx.msk $0xffff, v3  }
0xeb: {  	v3 =	vmul.f32 $7.071067810e+00, v4;
	[tilespmem:v0+s22+$0x190 ss:$0x1] =	vst.idx.msk $0xffff, v1;
	v1 =	vld.idx.msk [tilespmem:v0+s16+$0x1E0 ss:$0x1], $0xffff  }
0xec: {  	v4 =	vmul.f32 $7.071067810e+00, v5;
	[tilespmem:v0+s21+$0x150 ss:$0x1] =	vst.idx.msk $0xffff, v2;
	v2 =	vld.idx.msk [tilespmem:v0+s22+$0x1A0 ss:$0x1], $0xffff  }
0xed: {  	v5 =	vmul.f32 $7.071067810e+00, v6;
	[tilespmem:v0+s18+$0x110 ss:$0x1] =	vst.idx.msk $0xffff, v3;
	v3 =	vld.idx.msk [tilespmem:v0+s21+$0x160 ss:$0x1], $0xffff  }
0xee: {  	v6 =	vmul.f32 $7.071067810e+00, v7;
	[tilespmem:v0+s19+$0xD0 ss:$0x1] =	vst.idx.msk $0xffff, v4;
	v4 =	vld.idx.msk [tilespmem:v0+s18+$0x120 ss:$0x1], $0xffff  }
0xef: {  	v7 =	vmul.f32 $7.071067810e+00, v8;
	[tilespmem:v0+s20+$0x90 ss:$0x1] =	vst.idx.msk $0xffff, v5;
	v5 =	vld.idx.msk [tilespmem:v0+s19+$0xE0 ss:$0x1], $0xffff  }
0xf0: {  	[tilespmem:v0+s23+$0x50 ss:$0x1] =	vst.idx.msk $0xffff, v6;
	v6 =	vld.idx.msk [tilespmem:v0+s20+$0xA0 ss:$0x1], $0xffff;
	v1 =	vmul.f32 $7.071067810e+00, v1  }
0xf1: {  	s25 =	smul.u32 $0xAB, s17;
	[tilespmem:v0+s24+$0x10 ss:$0x1] =	vst.idx.msk $0xffff, v7;
	v7 =	vld.idx.msk [tilespmem:v0+s23+$0x60 ss:$0x1], $0xffff;
	v2 =	vmul.f32 $7.071067810e+00, v2  }
0xf2: {  	v8 =	vld.idx.msk [tilespmem:v0+s24+$0x20 ss:$0x1], $0xffff;
	v3 =	vmul.f32 $7.071067810e+00, v3;
	[tilespmem:v0+s16+$0x1E0 ss:$0x1] =	vst.idx.msk $0xffff, v1  }
0xf3: {  	s25 =	sshrl.u32 s25, $0xA;
	v1 =	vmul.f32 $7.071067810e+00, v4;
	[tilespmem:v0+s22+$0x1A0 ss:$0x1] =	vst.idx.msk $0xffff, v2;
	v2 =	vld.idx.msk [tilespmem:v0+s16+$0x1F0 ss:$0x1], $0xffff  }
0xf4: {  	s25 =	sand.u32 $0x3F, s25;
	v4 =	vmul.f32 $7.071067810e+00, v5;
	[tilespmem:v0+s21+$0x160 ss:$0x1] =	vst.idx.msk $0xffff, v3;
	v9 =	vld.idx.msk [tilespmem:v0+s22+$0x1B0 ss:$0x1], $0xffff  }
0xf5: {  	s25 =	smul.u32 $0x6, s25;
	v3 =	vmul.f32 $7.071067810e+00, v6;
	[tilespmem:v0+s18+$0x120 ss:$0x1] =	vst.idx.msk $0xffff, v1;
	v5 =	vld.idx.msk [tilespmem:v0+s21+$0x170 ss:$0x1], $0xffff  }
0xf6: {  	v1 =	vmul.f32 $7.071067810e+00, v7;
	[tilespmem:v0+s19+$0xE0 ss:$0x1] =	vst.idx.msk $0xffff, v4;
	v4 =	vld.idx.msk [tilespmem:v0+s18+$0x130 ss:$0x1], $0xffff  }
0xf7: {  	s25 =	ssub.s32 s17, s25;
	v7 =	vmul.f32 $7.071067810e+00, v8;
	[tilespmem:v0+s20+$0xA0 ss:$0x1] =	vst.idx.msk $0xffff, v3;
	v6 =	vld.idx.msk [tilespmem:v0+s19+$0xF0 ss:$0x1], $0xffff  }
0xf8: {  	s25 =	sand.u32 $0xFF, s25;
	[tilespmem:v0+s23+$0x60 ss:$0x1] =	vst.idx.msk $0xffff, v1;
	v3 =	vld.idx.msk [tilespmem:v0+s20+$0xB0 ss:$0x1], $0xffff  }
0xf9: {  	s25 =	sshll.u32 s25, $0xE;
	[tilespmem:v0+s24+$0x20 ss:$0x1] =	vst.idx.msk $0xffff, v7;
	v1 =	vld.idx.msk [tilespmem:v0+s23+$0x70 ss:$0x1], $0xffff;
	v8 =	vmul.f32 $7.071067810e+00, v2  }
0xfa: {  	s26 =	simm.s32 $0x1C;
	s28 =	smov.u32 s16;
	s25 =	sadd.s32 $0x6400, s25;
	v2 =	vld.idx.msk [tilespmem:v0+s24+$0x30 ss:$0x1], $0xffff;
	v7 =	vmul.f32 $7.071067810e+00, v9  }
.LBB2_3:
0xfb: {  	s26 =	sadd.s32 $0x4, s26;
	v5 =	vmul.f32 $7.071067810e+00, v5;
	[tilespmem:v0+s28+$0x1F0 ss:$0x1] =	vst.idx.msk $0xffff, v8;
	s28 =	smov.u32 s22;
	s22 =	smov.u32 s21  }
0xfc: {  	v4 =	vmul.f32 $7.071067810e+00, v4;
	s21 =	smov.u32 s18;
	s18 =	smov.u32 s19;
	p0 =	slt.u32 s26, $0x7C;
	[tilespmem:v0+s28+$0x1B0 ss:$0x1] =	vst.idx.msk $0xffff, v7  }
0xfd: {  	s19 =	smov.u32 s20;
	s20 =	smov.u32 s23;
	s23 =	smov.u32 s24;
	v6 =	vmul.f32 $7.071067810e+00, v6;
	[tilespmem:v0+s22+$0x170 ss:$0x1] =	vst.idx.msk $0xffff, v5;
	v5 =	vld.idx.msk [tilespmem:v0+s28+$0x1C0 ss:$0x1], $0xffff  }
0xfe: {  	v3 =	vmul.f32 $7.071067810e+00, v3;
	[tilespmem:v0+s21+$0x130 ss:$0x1] =	vst.idx.msk $0xffff, v4;
	v4 =	vld.idx.msk [tilespmem:v0+s22+$0x180 ss:$0x1], $0xffff  }
0xff: {  	v1 =	vmul.f32 $7.071067810e+00, v1;
	[tilespmem:v0+s18+$0xF0 ss:$0x1] =	vst.idx.msk $0xffff, v6;
	v6 =	vld.idx.msk [tilespmem:v0+s21+$0x140 ss:$0x1], $0xffff  }
0x100: {  	v2 =	vmul.f32 $7.071067810e+00, v2;
	[tilespmem:v0+s19+$0xB0 ss:$0x1] =	vst.idx.msk $0xffff, v3;
	v3 =	vld.idx.msk [tilespmem:v0+s18+$0x100 ss:$0x1], $0xffff  }
0x101: {  	[tilespmem:v0+s20+$0x70 ss:$0x1] =	vst.idx.msk $0xffff, v1;
	v1 =	vld.idx.msk [tilespmem:v0+s19+$0xC0 ss:$0x1], $0xffff  }
0x102: {  	[tilespmem:v0+s24+$0x30 ss:$0x1] =	vst.idx.msk $0xffff, v2;
	v2 =	vld.idx.msk [tilespmem:v0+s20+$0x80 ss:$0x1], $0xffff  }
0x103: {  	s24 =	sadd.s32 $0x200, s24;
	v5 =	vmul.f32 $7.071067810e+00, v5;
	v7 =	vld.idx.msk [tilespmem:v0+s23+$0x40 ss:$0x1], $0xffff  }
0x104: {  	v4 =	vmul.f32 $7.071067810e+00, v4;
	v8 =	vld.idx.msk [tilespmem:v0+s24+$0x0 ss:$0x1], $0xffff  }
0x105: {  	v6 =	vmul.f32 $7.071067810e+00, v6;
	[tilespmem:v0+s28+$0x1C0 ss:$0x1] =	vst.idx.msk $0xffff, v5  }
0x106: {  	v3 =	vmul.f32 $7.071067810e+00, v3;
	[tilespmem:v0+s22+$0x180 ss:$0x1] =	vst.idx.msk $0xffff, v4;
	v4 =	vld.idx.msk [tilespmem:v0+s28+$0x1D0 ss:$0x1], $0xffff  }
0x107: {  	v1 =	vmul.f32 $7.071067810e+00, v1;
	[tilespmem:v0+s21+$0x140 ss:$0x1] =	vst.idx.msk $0xffff, v6;
	v5 =	vld.idx.msk [tilespmem:v0+s22+$0x190 ss:$0x1], $0xffff  }
0x108: {  	v2 =	vmul.f32 $7.071067810e+00, v2;
	[tilespmem:v0+s18+$0x100 ss:$0x1] =	vst.idx.msk $0xffff, v3;
	v3 =	vld.idx.msk [tilespmem:v0+s21+$0x150 ss:$0x1], $0xffff  }
0x109: {  	v6 =	vmul.f32 $7.071067810e+00, v7;
	[tilespmem:v0+s19+$0xC0 ss:$0x1] =	vst.idx.msk $0xffff, v1;
	v1 =	vld.idx.msk [tilespmem:v0+s18+$0x110 ss:$0x1], $0xffff  }
0x10a: {  	v7 =	vmul.f32 $7.071067810e+00, v8;
	[tilespmem:v0+s20+$0x80 ss:$0x1] =	vst.idx.msk $0xffff, v2;
	v2 =	vld.idx.msk [tilespmem:v0+s19+$0xD0 ss:$0x1], $0xffff  }
0x10b: {  	[tilespmem:v0+s23+$0x40 ss:$0x1] =	vst.idx.msk $0xffff, v6;
	v6 =	vld.idx.msk [tilespmem:v0+s20+$0x90 ss:$0x1], $0xffff  }
0x10c: {  	v4 =	vmul.f32 $7.071067810e+00, v4;
	[tilespmem:v0+s24+$0x0 ss:$0x1] =	vst.idx.msk $0xffff, v7;
	v7 =	vld.idx.msk [tilespmem:v0+s23+$0x50 ss:$0x1], $0xffff  }
0x10d: {  	v5 =	vmul.f32 $7.071067810e+00, v5;
	v8 =	vld.idx.msk [tilespmem:v0+s24+$0x10 ss:$0x1], $0xffff  }
0x10e: {  	v3 =	vmul.f32 $7.071067810e+00, v3;
	[tilespmem:v0+s28+$0x1D0 ss:$0x1] =	vst.idx.msk $0xffff, v4  }
0x10f: {  	v1 =	vmul.f32 $7.071067810e+00, v1;
	[tilespmem:v0+s22+$0x190 ss:$0x1] =	vst.idx.msk $0xffff, v5;
	v4 =	vld.idx.msk [tilespmem:v0+s28+$0x1E0 ss:$0x1], $0xffff  }
0x110: {  	v2 =	vmul.f32 $7.071067810e+00, v2;
	[tilespmem:v0+s21+$0x150 ss:$0x1] =	vst.idx.msk $0xffff, v3;
	v3 =	vld.idx.msk [tilespmem:v0+s22+$0x1A0 ss:$0x1], $0xffff  }
0x111: {  	v5 =	vmul.f32 $7.071067810e+00, v6;
	[tilespmem:v0+s18+$0x110 ss:$0x1] =	vst.idx.msk $0xffff, v1;
	v1 =	vld.idx.msk [tilespmem:v0+s21+$0x160 ss:$0x1], $0xffff  }
0x112: {  	v6 =	vmul.f32 $7.071067810e+00, v7;
	[tilespmem:v0+s19+$0xD0 ss:$0x1] =	vst.idx.msk $0xffff, v2;
	v2 =	vld.idx.msk [tilespmem:v0+s18+$0x120 ss:$0x1], $0xffff  }
0x113: {  	v7 =	vmul.f32 $7.071067810e+00, v8;
	[tilespmem:v0+s20+$0x90 ss:$0x1] =	vst.idx.msk $0xffff, v5;
	v5 =	vld.idx.msk [tilespmem:v0+s19+$0xE0 ss:$0x1], $0xffff  }
0x114: {  	[tilespmem:v0+s23+$0x50 ss:$0x1] =	vst.idx.msk $0xffff, v6;
	v6 =	vld.idx.msk [tilespmem:v0+s20+$0xA0 ss:$0x1], $0xffff  }
0x115: {  	v4 =	vmul.f32 $7.071067810e+00, v4;
	[tilespmem:v0+s24+$0x10 ss:$0x1] =	vst.idx.msk $0xffff, v7;
	v7 =	vld.idx.msk [tilespmem:v0+s23+$0x60 ss:$0x1], $0xffff  }
0x116: {  	v3 =	vmul.f32 $7.071067810e+00, v3;
	v8 =	vld.idx.msk [tilespmem:v0+s24+$0x20 ss:$0x1], $0xffff  }
0x117: {  	v1 =	vmul.f32 $7.071067810e+00, v1;
	[tilespmem:v0+s28+$0x1E0 ss:$0x1] =	vst.idx.msk $0xffff, v4  }
0x118: {  	v2 =	vmul.f32 $7.071067810e+00, v2;
	[tilespmem:v0+s22+$0x1A0 ss:$0x1] =	vst.idx.msk $0xffff, v3;
	v9 =	vld.idx.msk [tilespmem:v0+s28+$0x1F0 ss:$0x1], $0xffff  }
0x119: {  	v3 =	vmul.f32 $7.071067810e+00, v5;
	[tilespmem:v0+s21+$0x160 ss:$0x1] =	vst.idx.msk $0xffff, v1;
	v10 =	vld.idx.msk [tilespmem:v0+s22+$0x1B0 ss:$0x1], $0xffff  }
0x11a: {  	v1 =	vmul.f32 $7.071067810e+00, v6;
	[tilespmem:v0+s18+$0x120 ss:$0x1] =	vst.idx.msk $0xffff, v2;
	v5 =	vld.idx.msk [tilespmem:v0+s21+$0x170 ss:$0x1], $0xffff  }
.Ltmp0:
0x11b: {  	v2 =	vmul.f32 $7.071067810e+00, v7;
	[tilespmem:v0+s19+$0xE0 ss:$0x1] =	vst.idx.msk $0xffff, v3;
	v4 =	vld.idx.msk [tilespmem:v0+s18+$0x130 ss:$0x1], $0xffff;
	(pc) =	sbr.rel @p0 .LBB2_3-.Ltmp0, $4  }
0x11c: {  	v7 =	vmul.f32 $7.071067810e+00, v8;
	[tilespmem:v0+s20+$0xA0 ss:$0x1] =	vst.idx.msk $0xffff, v1;
	v6 =	vld.idx.msk [tilespmem:v0+s19+$0xF0 ss:$0x1], $0xffff  }
0x11d: {  	[tilespmem:v0+s23+$0x60 ss:$0x1] =	vst.idx.msk $0xffff, v2;
	v3 =	vld.idx.msk [tilespmem:v0+s20+$0xB0 ss:$0x1], $0xffff  }
0x11e: {  	v8 =	vmul.f32 $7.071067810e+00, v9;
	[tilespmem:v0+s24+$0x20 ss:$0x1] =	vst.idx.msk $0xffff, v7;
	v1 =	vld.idx.msk [tilespmem:v0+s23+$0x70 ss:$0x1], $0xffff  }
0x11f: {  	v7 =	vmul.f32 $7.071067810e+00, v10;
	v2 =	vld.idx.msk [tilespmem:v0+s24+$0x30 ss:$0x1], $0xffff  }
0x120: {  	_ =	sdelay $0x3  }
0x121: {  	v5 =	vmul.f32 $7.071067810e+00, v5;
	[tilespmem:v0+s28+$0x1F0 ss:$0x1] =	vst.idx.msk $0xffff, v8  }
0x122: {  	v4 =	vmul.f32 $7.071067810e+00, v4;
	[tilespmem:v0+s22+$0x1B0 ss:$0x1] =	vst.idx.msk $0xffff, v7  }
0x123: {  	v6 =	vmul.f32 $7.071067810e+00, v6;
	[tilespmem:v0+s21+$0x170 ss:$0x1] =	vst.idx.msk $0xffff, v5;
	v55 =	vld.idx.msk [tilespmem:v0+s22+$0x1C0 ss:$0x1], $0xffff  }
0x124: {  	v3 =	vmul.f32 $7.071067810e+00, v3;
	[tilespmem:v0+s18+$0x130 ss:$0x1] =	vst.idx.msk $0xffff, v4;
	v56 =	vld.idx.msk [tilespmem:v0+s21+$0x180 ss:$0x1], $0xffff  }
0x125: {  	v1 =	vmul.f32 $7.071067810e+00, v1;
	[tilespmem:v0+s19+$0xF0 ss:$0x1] =	vst.idx.msk $0xffff, v6;
	v57 =	vld.idx.msk [tilespmem:v0+s18+$0x140 ss:$0x1], $0xffff  }
0x126: {  	v2 =	vmul.f32 $7.071067810e+00, v2;
	[tilespmem:v0+s20+$0xB0 ss:$0x1] =	vst.idx.msk $0xffff, v3;
	v58 =	vld.idx.msk [tilespmem:v0+s19+$0x100 ss:$0x1], $0xffff  }
0x127: {  	[tilespmem:v0+s23+$0x70 ss:$0x1] =	vst.idx.msk $0xffff, v1;
	v59 =	vld.idx.msk [tilespmem:v0+s20+$0xC0 ss:$0x1], $0xffff  }
0x128: {  	[tilespmem:v0+s24+$0x30 ss:$0x1] =	vst.idx.msk $0xffff, v2;
	v60 =	vld.idx.msk [tilespmem:v0+s23+$0x80 ss:$0x1], $0xffff;
	v5 =	vmul.f32 $7.071067810e+00, v55  }
0x129: {  	v61 =	vld.idx.msk [tilespmem:v0+s24+$0x40 ss:$0x1], $0xffff;
	v4 =	vmul.f32 $7.071067810e+00, v56  }
0x12a: {  	v6 =	vmul.f32 $7.071067810e+00, v57;
	[tilespmem:v0+s22+$0x1C0 ss:$0x1] =	vst.idx.msk $0xffff, v5  }
0x12b: {  	v3 =	vmul.f32 $7.071067810e+00, v58;
	[tilespmem:v0+s21+$0x180 ss:$0x1] =	vst.idx.msk $0xffff, v4;
	v62 =	vld.idx.msk [tilespmem:v0+s22+$0x1D0 ss:$0x1], $0xffff  }
0x12c: {  	v1 =	vmul.f32 $7.071067810e+00, v59;
	[tilespmem:v0+s18+$0x140 ss:$0x1] =	vst.idx.msk $0xffff, v6;
	v5 =	vld.idx.msk [tilespmem:v0+s21+$0x190 ss:$0x1], $0xffff  }
0x12d: {  	v2 =	vmul.f32 $7.071067810e+00, v60;
	[tilespmem:v0+s19+$0x100 ss:$0x1] =	vst.idx.msk $0xffff, v3;
	v63 =	vld.idx.msk [tilespmem:v0+s18+$0x150 ss:$0x1], $0xffff  }
0x12e: {  	v9 =	vmul.f32 $7.071067810e+00, v61;
	[tilespmem:v0+s20+$0xC0 ss:$0x1] =	vst.idx.msk $0xffff, v1;
	v10 =	vld.idx.msk [tilespmem:v0+s19+$0x110 ss:$0x1], $0xffff  }
0x12f: {  	[tilespmem:v0+s23+$0x80 ss:$0x1] =	vst.idx.msk $0xffff, v2;
	v11 =	vld.idx.msk [tilespmem:v0+s20+$0xD0 ss:$0x1], $0xffff  }
0x130: {  	[tilespmem:v0+s24+$0x40 ss:$0x1] =	vst.idx.msk $0xffff, v9;
	v12 =	vld.idx.msk [tilespmem:v0+s23+$0x90 ss:$0x1], $0xffff;
	v4 =	vmul.f32 $7.071067810e+00, v62  }
0x131: {  	v13 =	vld.idx.msk [tilespmem:v0+s24+$0x50 ss:$0x1], $0xffff;
	v5 =	vmul.f32 $7.071067810e+00, v5  }
0x132: {  	v3 =	vmul.f32 $7.071067810e+00, v63;
	[tilespmem:v0+s22+$0x1D0 ss:$0x1] =	vst.idx.msk $0xffff, v4  }
0x133: {  	v1 =	vmul.f32 $7.071067810e+00, v10;
	[tilespmem:v0+s21+$0x190 ss:$0x1] =	vst.idx.msk $0xffff, v5;
	v4 =	vld.idx.msk [tilespmem:v0+s22+$0x1E0 ss:$0x1], $0xffff  }
0x134: {  	v2 =	vmul.f32 $7.071067810e+00, v11;
	[tilespmem:v0+s18+$0x150 ss:$0x1] =	vst.idx.msk $0xffff, v3;
	v14 =	vld.idx.msk [tilespmem:v0+s21+$0x1A0 ss:$0x1], $0xffff  }
0x135: {  	v15 =	vmul.f32 $7.071067810e+00, v12;
	[tilespmem:v0+s19+$0x110 ss:$0x1] =	vst.idx.msk $0xffff, v1;
	v16 =	vld.idx.msk [tilespmem:v0+s18+$0x160 ss:$0x1], $0xffff  }
0x136: {  	v17 =	vmul.f32 $7.071067810e+00, v13;
	[tilespmem:v0+s20+$0xD0 ss:$0x1] =	vst.idx.msk $0xffff, v2;
	v18 =	vld.idx.msk [tilespmem:v0+s19+$0x120 ss:$0x1], $0xffff  }
0x137: {  	[tilespmem:v0+s23+$0x90 ss:$0x1] =	vst.idx.msk $0xffff, v15;
	v19 =	vld.idx.msk [tilespmem:v0+s20+$0xE0 ss:$0x1], $0xffff  }
0x138: {  	[tilespmem:v0+s24+$0x50 ss:$0x1] =	vst.idx.msk $0xffff, v17;
	v20 =	vld.idx.msk [tilespmem:v0+s23+$0xA0 ss:$0x1], $0xffff;
	v4 =	vmul.f32 $7.071067810e+00, v4  }
0x139: {  	v21 =	vld.idx.msk [tilespmem:v0+s24+$0x60 ss:$0x1], $0xffff;
	v3 =	vmul.f32 $7.071067810e+00, v14  }
0x13a: {  	v1 =	vmul.f32 $7.071067810e+00, v16;
	[tilespmem:v0+s22+$0x1E0 ss:$0x1] =	vst.idx.msk $0xffff, v4  }
0x13b: {  	v2 =	vmul.f32 $7.071067810e+00, v18;
	[tilespmem:v0+s21+$0x1A0 ss:$0x1] =	vst.idx.msk $0xffff, v3;
	v22 =	vld.idx.msk [tilespmem:v0+s22+$0x1F0 ss:$0x1], $0xffff  }
0x13c: {  	v23 =	vmul.f32 $7.071067810e+00, v19;
	[tilespmem:v0+s18+$0x160 ss:$0x1] =	vst.idx.msk $0xffff, v1;
	v24 =	vld.idx.msk [tilespmem:v0+s21+$0x1B0 ss:$0x1], $0xffff  }
0x13d: {  	v25 =	vmul.f32 $7.071067810e+00, v20;
	[tilespmem:v0+s19+$0x120 ss:$0x1] =	vst.idx.msk $0xffff, v2;
	v26 =	vld.idx.msk [tilespmem:v0+s18+$0x170 ss:$0x1], $0xffff  }
0x13e: {  	v27 =	vmul.f32 $7.071067810e+00, v21;
	[tilespmem:v0+s20+$0xE0 ss:$0x1] =	vst.idx.msk $0xffff, v23;
	v28 =	vld.idx.msk [tilespmem:v0+s19+$0x130 ss:$0x1], $0xffff  }
0x13f: {  	[tilespmem:v0+s23+$0xA0 ss:$0x1] =	vst.idx.msk $0xffff, v25;
	v29 =	vld.idx.msk [tilespmem:v0+s20+$0xF0 ss:$0x1], $0xffff  }
0x140: {  	[tilespmem:v0+s24+$0x60 ss:$0x1] =	vst.idx.msk $0xffff, v27;
	v30 =	vld.idx.msk [tilespmem:v0+s23+$0xB0 ss:$0x1], $0xffff;
	v3 =	vmul.f32 $7.071067810e+00, v22  }
0x141: {  	v31 =	vld.idx.msk [tilespmem:v0+s24+$0x70 ss:$0x1], $0xffff;
	v1 =	vmul.f32 $7.071067810e+00, v24  }
0x142: {  	v2 =	vmul.f32 $7.071067810e+00, v26;
	[tilespmem:v0+s22+$0x1F0 ss:$0x1] =	vst.idx.msk $0xffff, v3  }
0x143: {  	v32 =	vmul.f32 $7.071067810e+00, v28;
	[tilespmem:v0+s21+$0x1B0 ss:$0x1] =	vst.idx.msk $0xffff, v1  }
0x144: {  	v33 =	vmul.f32 $7.071067810e+00, v29;
	[tilespmem:v0+s18+$0x170 ss:$0x1] =	vst.idx.msk $0xffff, v2;
	v34 =	vld.idx.msk [tilespmem:v0+s21+$0x1C0 ss:$0x1], $0xffff  }
0x145: {  	v35 =	vmul.f32 $7.071067810e+00, v30;
	[tilespmem:v0+s19+$0x130 ss:$0x1] =	vst.idx.msk $0xffff, v32;
	v36 =	vld.idx.msk [tilespmem:v0+s18+$0x180 ss:$0x1], $0xffff  }
0x146: {  	v37 =	vmul.f32 $7.071067810e+00, v31;
	[tilespmem:v0+s20+$0xF0 ss:$0x1] =	vst.idx.msk $0xffff, v33;
	v38 =	vld.idx.msk [tilespmem:v0+s19+$0x140 ss:$0x1], $0xffff  }
0x147: {  	[tilespmem:v0+s23+$0xB0 ss:$0x1] =	vst.idx.msk $0xffff, v35;
	v39 =	vld.idx.msk [tilespmem:v0+s20+$0x100 ss:$0x1], $0xffff  }
0x148: {  	[tilespmem:v0+s24+$0x70 ss:$0x1] =	vst.idx.msk $0xffff, v37;
	v40 =	vld.idx.msk [tilespmem:v0+s23+$0xC0 ss:$0x1], $0xffff  }
0x149: {  	v41 =	vld.idx.msk [tilespmem:v0+s24+$0x80 ss:$0x1], $0xffff;
	v2 =	vmul.f32 $7.071067810e+00, v34  }
0x14a: {  	v3 =	vmul.f32 $7.071067810e+00, v36  }
0x14b: {  	v1 =	vmul.f32 $7.071067810e+00, v38;
	[tilespmem:v0+s21+$0x1C0 ss:$0x1] =	vst.idx.msk $0xffff, v2  }
0x14c: {  	v42 =	vmul.f32 $7.071067810e+00, v39;
	[tilespmem:v0+s18+$0x180 ss:$0x1] =	vst.idx.msk $0xffff, v3;
	v43 =	vld.idx.msk [tilespmem:v0+s21+$0x1D0 ss:$0x1], $0xffff  }
0x14d: {  	v44 =	vmul.f32 $7.071067810e+00, v40;
	[tilespmem:v0+s19+$0x140 ss:$0x1] =	vst.idx.msk $0xffff, v1;
	v45 =	vld.idx.msk [tilespmem:v0+s18+$0x190 ss:$0x1], $0xffff  }
0x14e: {  	v46 =	vmul.f32 $7.071067810e+00, v41;
	[tilespmem:v0+s20+$0x100 ss:$0x1] =	vst.idx.msk $0xffff, v42;
	v47 =	vld.idx.msk [tilespmem:v0+s19+$0x150 ss:$0x1], $0xffff  }
0x14f: {  	[tilespmem:v0+s23+$0xC0 ss:$0x1] =	vst.idx.msk $0xffff, v44;
	v48 =	vld.idx.msk [tilespmem:v0+s20+$0x110 ss:$0x1], $0xffff  }
0x150: {  	[tilespmem:v0+s24+$0x80 ss:$0x1] =	vst.idx.msk $0xffff, v46;
	v49 =	vld.idx.msk [tilespmem:v0+s23+$0xD0 ss:$0x1], $0xffff  }
0x151: {  	v50 =	vld.idx.msk [tilespmem:v0+s24+$0x90 ss:$0x1], $0xffff;
	v3 =	vmul.f32 $7.071067810e+00, v43  }
0x152: {  	v1 =	vmul.f32 $7.071067810e+00, v45  }
0x153: {  	v2 =	vmul.f32 $7.071067810e+00, v47;
	[tilespmem:v0+s21+$0x1D0 ss:$0x1] =	vst.idx.msk $0xffff, v3  }
0x154: {  	v51 =	vmul.f32 $7.071067810e+00, v48;
	[tilespmem:v0+s18+$0x190 ss:$0x1] =	vst.idx.msk $0xffff, v1;
	v52 =	vld.idx.msk [tilespmem:v0+s21+$0x1E0 ss:$0x1], $0xffff  }
0x155: {  	v53 =	vmul.f32 $7.071067810e+00, v49;
	[tilespmem:v0+s19+$0x150 ss:$0x1] =	vst.idx.msk $0xffff, v2;
	v54 =	vld.idx.msk [tilespmem:v0+s18+$0x1A0 ss:$0x1], $0xffff  }
0x156: {  	v55 =	vmul.f32 $7.071067810e+00, v50;
	[tilespmem:v0+s20+$0x110 ss:$0x1] =	vst.idx.msk $0xffff, v51;
	v56 =	vld.idx.msk [tilespmem:v0+s19+$0x160 ss:$0x1], $0xffff  }
0x157: {  	[tilespmem:v0+s23+$0xD0 ss:$0x1] =	vst.idx.msk $0xffff, v53;
	v57 =	vld.idx.msk [tilespmem:v0+s20+$0x120 ss:$0x1], $0xffff  }
0x158: {  	[tilespmem:v0+s24+$0x90 ss:$0x1] =	vst.idx.msk $0xffff, v55;
	v58 =	vld.idx.msk [tilespmem:v0+s23+$0xE0 ss:$0x1], $0xffff  }
0x159: {  	v59 =	vld.idx.msk [tilespmem:v0+s24+$0xA0 ss:$0x1], $0xffff;
	v1 =	vmul.f32 $7.071067810e+00, v52  }
0x15a: {  	v2 =	vmul.f32 $7.071067810e+00, v54  }
0x15b: {  	v3 =	vmul.f32 $7.071067810e+00, v56;
	[tilespmem:v0+s21+$0x1E0 ss:$0x1] =	vst.idx.msk $0xffff, v1  }
0x15c: {  	v60 =	vmul.f32 $7.071067810e+00, v57;
	[tilespmem:v0+s18+$0x1A0 ss:$0x1] =	vst.idx.msk $0xffff, v2;
	v61 =	vld.idx.msk [tilespmem:v0+s21+$0x1F0 ss:$0x1], $0xffff  }
0x15d: {  	v62 =	vmul.f32 $7.071067810e+00, v58;
	[tilespmem:v0+s19+$0x160 ss:$0x1] =	vst.idx.msk $0xffff, v3;
	v63 =	vld.idx.msk [tilespmem:v0+s18+$0x1B0 ss:$0x1], $0xffff  }
0x15e: {  	v8 =	vmul.f32 $7.071067810e+00, v59;
	[tilespmem:v0+s20+$0x120 ss:$0x1] =	vst.idx.msk $0xffff, v60;
	v9 =	vld.idx.msk [tilespmem:v0+s19+$0x170 ss:$0x1], $0xffff  }
0x15f: {  	[tilespmem:v0+s23+$0xE0 ss:$0x1] =	vst.idx.msk $0xffff, v62;
	v10 =	vld.idx.msk [tilespmem:v0+s20+$0x130 ss:$0x1], $0xffff  }
0x160: {  	[tilespmem:v0+s24+$0xA0 ss:$0x1] =	vst.idx.msk $0xffff, v8;
	v11 =	vld.idx.msk [tilespmem:v0+s23+$0xF0 ss:$0x1], $0xffff  }
0x161: {  	v12 =	vld.idx.msk [tilespmem:v0+s24+$0xB0 ss:$0x1], $0xffff;
	v2 =	vmul.f32 $7.071067810e+00, v61  }
0x162: {  	v3 =	vmul.f32 $7.071067810e+00, v63  }
0x163: {  	v1 =	vmul.f32 $7.071067810e+00, v9;
	[tilespmem:v0+s21+$0x1F0 ss:$0x1] =	vst.idx.msk $0xffff, v2  }
0x164: {  	v13 =	vmul.f32 $7.071067810e+00, v10;
	[tilespmem:v0+s18+$0x1B0 ss:$0x1] =	vst.idx.msk $0xffff, v3  }
0x165: {  	v14 =	vmul.f32 $7.071067810e+00, v11;
	[tilespmem:v0+s19+$0x170 ss:$0x1] =	vst.idx.msk $0xffff, v1;
	v15 =	vld.idx.msk [tilespmem:v0+s18+$0x1C0 ss:$0x1], $0xffff  }
0x166: {  	v16 =	vmul.f32 $7.071067810e+00, v12;
	[tilespmem:v0+s20+$0x130 ss:$0x1] =	vst.idx.msk $0xffff, v13;
	v17 =	vld.idx.msk [tilespmem:v0+s19+$0x180 ss:$0x1], $0xffff  }
0x167: {  	[tilespmem:v0+s23+$0xF0 ss:$0x1] =	vst.idx.msk $0xffff, v14;
	v18 =	vld.idx.msk [tilespmem:v0+s20+$0x140 ss:$0x1], $0xffff  }
0x168: {  	[tilespmem:v0+s24+$0xB0 ss:$0x1] =	vst.idx.msk $0xffff, v16;
	v19 =	vld.idx.msk [tilespmem:v0+s23+$0x100 ss:$0x1], $0xffff  }
0x169: {  	v20 =	vld.idx.msk [tilespmem:v0+s24+$0xC0 ss:$0x1], $0xffff  }
0x16a: {  	v1 =	vmul.f32 $7.071067810e+00, v15  }
0x16b: {  	v2 =	vmul.f32 $7.071067810e+00, v17  }
0x16c: {  	v3 =	vmul.f32 $7.071067810e+00, v18;
	[tilespmem:v0+s18+$0x1C0 ss:$0x1] =	vst.idx.msk $0xffff, v1  }
0x16d: {  	v21 =	vmul.f32 $7.071067810e+00, v19;
	[tilespmem:v0+s19+$0x180 ss:$0x1] =	vst.idx.msk $0xffff, v2;
	v22 =	vld.idx.msk [tilespmem:v0+s18+$0x1D0 ss:$0x1], $0xffff  }
0x16e: {  	v23 =	vmul.f32 $7.071067810e+00, v20;
	[tilespmem:v0+s20+$0x140 ss:$0x1] =	vst.idx.msk $0xffff, v3;
	v24 =	vld.idx.msk [tilespmem:v0+s19+$0x190 ss:$0x1], $0xffff  }
0x16f: {  	[tilespmem:v0+s23+$0x100 ss:$0x1] =	vst.idx.msk $0xffff, v21;
	v25 =	vld.idx.msk [tilespmem:v0+s20+$0x150 ss:$0x1], $0xffff  }
0x170: {  	[tilespmem:v0+s24+$0xC0 ss:$0x1] =	vst.idx.msk $0xffff, v23;
	v26 =	vld.idx.msk [tilespmem:v0+s23+$0x110 ss:$0x1], $0xffff  }
0x171: {  	v27 =	vld.idx.msk [tilespmem:v0+s24+$0xD0 ss:$0x1], $0xffff  }
0x172: {  	v2 =	vmul.f32 $7.071067810e+00, v22  }
0x173: {  	v3 =	vmul.f32 $7.071067810e+00, v24  }
0x174: {  	v1 =	vmul.f32 $7.071067810e+00, v25;
	[tilespmem:v0+s18+$0x1D0 ss:$0x1] =	vst.idx.msk $0xffff, v2  }
0x175: {  	v28 =	vmul.f32 $7.071067810e+00, v26;
	[tilespmem:v0+s19+$0x190 ss:$0x1] =	vst.idx.msk $0xffff, v3;
	v29 =	vld.idx.msk [tilespmem:v0+s18+$0x1E0 ss:$0x1], $0xffff  }
0x176: {  	v30 =	vmul.f32 $7.071067810e+00, v27;
	[tilespmem:v0+s20+$0x150 ss:$0x1] =	vst.idx.msk $0xffff, v1;
	v31 =	vld.idx.msk [tilespmem:v0+s19+$0x1A0 ss:$0x1], $0xffff  }
0x177: {  	[tilespmem:v0+s23+$0x110 ss:$0x1] =	vst.idx.msk $0xffff, v28;
	v32 =	vld.idx.msk [tilespmem:v0+s20+$0x160 ss:$0x1], $0xffff  }
0x178: {  	[tilespmem:v0+s24+$0xD0 ss:$0x1] =	vst.idx.msk $0xffff, v30;
	v33 =	vld.idx.msk [tilespmem:v0+s23+$0x120 ss:$0x1], $0xffff  }
0x179: {  	v34 =	vld.idx.msk [tilespmem:v0+s24+$0xE0 ss:$0x1], $0xffff  }
0x17a: {  	v3 =	vmul.f32 $7.071067810e+00, v29  }
0x17b: {  	v1 =	vmul.f32 $7.071067810e+00, v31  }
0x17c: {  	v2 =	vmul.f32 $7.071067810e+00, v32;
	[tilespmem:v0+s18+$0x1E0 ss:$0x1] =	vst.idx.msk $0xffff, v3  }
0x17d: {  	v35 =	vmul.f32 $7.071067810e+00, v33;
	[tilespmem:v0+s19+$0x1A0 ss:$0x1] =	vst.idx.msk $0xffff, v1;
	v36 =	vld.idx.msk [tilespmem:v0+s18+$0x1F0 ss:$0x1], $0xffff  }
0x17e: {  	v37 =	vmul.f32 $7.071067810e+00, v34;
	[tilespmem:v0+s20+$0x160 ss:$0x1] =	vst.idx.msk $0xffff, v2;
	v38 =	vld.idx.msk [tilespmem:v0+s19+$0x1B0 ss:$0x1], $0xffff  }
0x17f: {  	[tilespmem:v0+s23+$0x120 ss:$0x1] =	vst.idx.msk $0xffff, v35;
	v39 =	vld.idx.msk [tilespmem:v0+s20+$0x170 ss:$0x1], $0xffff  }
0x180: {  	[tilespmem:v0+s24+$0xE0 ss:$0x1] =	vst.idx.msk $0xffff, v37;
	v40 =	vld.idx.msk [tilespmem:v0+s23+$0x130 ss:$0x1], $0xffff  }
0x181: {  	v41 =	vld.idx.msk [tilespmem:v0+s24+$0xF0 ss:$0x1], $0xffff  }
0x182: {  	v1 =	vmul.f32 $7.071067810e+00, v36  }
0x183: {  	v2 =	vmul.f32 $7.071067810e+00, v38  }
0x184: {  	v3 =	vmul.f32 $7.071067810e+00, v39;
	[tilespmem:v0+s18+$0x1F0 ss:$0x1] =	vst.idx.msk $0xffff, v1  }
0x185: {  	v42 =	vmul.f32 $7.071067810e+00, v40;
	[tilespmem:v0+s19+$0x1B0 ss:$0x1] =	vst.idx.msk $0xffff, v2  }
0x186: {  	v43 =	vmul.f32 $7.071067810e+00, v41;
	[tilespmem:v0+s20+$0x170 ss:$0x1] =	vst.idx.msk $0xffff, v3;
	v44 =	vld.idx.msk [tilespmem:v0+s19+$0x1C0 ss:$0x1], $0xffff  }
0x187: {  	[tilespmem:v0+s23+$0x130 ss:$0x1] =	vst.idx.msk $0xffff, v42;
	v45 =	vld.idx.msk [tilespmem:v0+s20+$0x180 ss:$0x1], $0xffff  }
0x188: {  	[tilespmem:v0+s24+$0xF0 ss:$0x1] =	vst.idx.msk $0xffff, v43;
	v46 =	vld.idx.msk [tilespmem:v0+s23+$0x140 ss:$0x1], $0xffff  }
0x189: {  	v47 =	vld.idx.msk [tilespmem:v0+s24+$0x100 ss:$0x1], $0xffff;
	_ =	sdelay $0x1  }
0x18a: {  	v3 =	vmul.f32 $7.071067810e+00, v44  }
0x18b: {  	v1 =	vmul.f32 $7.071067810e+00, v45  }
0x18c: {  	v2 =	vmul.f32 $7.071067810e+00, v46;
	[tilespmem:v0+s19+$0x1C0 ss:$0x1] =	vst.idx.msk $0xffff, v3  }
0x18d: {  	v48 =	vmul.f32 $7.071067810e+00, v47;
	[tilespmem:v0+s20+$0x180 ss:$0x1] =	vst.idx.msk $0xffff, v1;
	v49 =	vld.idx.msk [tilespmem:v0+s19+$0x1D0 ss:$0x1], $0xffff  }
0x18e: {  	[tilespmem:v0+s23+$0x140 ss:$0x1] =	vst.idx.msk $0xffff, v2;
	v50 =	vld.idx.msk [tilespmem:v0+s20+$0x190 ss:$0x1], $0xffff  }
0x18f: {  	[tilespmem:v0+s24+$0x100 ss:$0x1] =	vst.idx.msk $0xffff, v48;
	v51 =	vld.idx.msk [tilespmem:v0+s23+$0x150 ss:$0x1], $0xffff  }
0x190: {  	v52 =	vld.idx.msk [tilespmem:v0+s24+$0x110 ss:$0x1], $0xffff;
	_ =	sdelay $0x1  }
0x191: {  	v1 =	vmul.f32 $7.071067810e+00, v49  }
0x192: {  	v2 =	vmul.f32 $7.071067810e+00, v50  }
0x193: {  	v3 =	vmul.f32 $7.071067810e+00, v51;
	[tilespmem:v0+s19+$0x1D0 ss:$0x1] =	vst.idx.msk $0xffff, v1  }
0x194: {  	v53 =	vmul.f32 $7.071067810e+00, v52;
	[tilespmem:v0+s20+$0x190 ss:$0x1] =	vst.idx.msk $0xffff, v2;
	v54 =	vld.idx.msk [tilespmem:v0+s19+$0x1E0 ss:$0x1], $0xffff  }
0x195: {  	[tilespmem:v0+s23+$0x150 ss:$0x1] =	vst.idx.msk $0xffff, v3;
	v55 =	vld.idx.msk [tilespmem:v0+s20+$0x1A0 ss:$0x1], $0xffff  }
0x196: {  	[tilespmem:v0+s24+$0x110 ss:$0x1] =	vst.idx.msk $0xffff, v53;
	v56 =	vld.idx.msk [tilespmem:v0+s23+$0x160 ss:$0x1], $0xffff  }
0x197: {  	v57 =	vld.idx.msk [tilespmem:v0+s24+$0x120 ss:$0x1], $0xffff;
	_ =	sdelay $0x1  }
0x198: {  	v2 =	vmul.f32 $7.071067810e+00, v54  }
0x199: {  	v3 =	vmul.f32 $7.071067810e+00, v55  }
0x19a: {  	v1 =	vmul.f32 $7.071067810e+00, v56;
	[tilespmem:v0+s19+$0x1E0 ss:$0x1] =	vst.idx.msk $0xffff, v2  }
0x19b: {  	v58 =	vmul.f32 $7.071067810e+00, v57;
	[tilespmem:v0+s20+$0x1A0 ss:$0x1] =	vst.idx.msk $0xffff, v3;
	v59 =	vld.idx.msk [tilespmem:v0+s19+$0x1F0 ss:$0x1], $0xffff  }
0x19c: {  	[tilespmem:v0+s23+$0x160 ss:$0x1] =	vst.idx.msk $0xffff, v1;
	v60 =	vld.idx.msk [tilespmem:v0+s20+$0x1B0 ss:$0x1], $0xffff  }
0x19d: {  	[tilespmem:v0+s24+$0x120 ss:$0x1] =	vst.idx.msk $0xffff, v58;
	v61 =	vld.idx.msk [tilespmem:v0+s23+$0x170 ss:$0x1], $0xffff  }
0x19e: {  	v62 =	vld.idx.msk [tilespmem:v0+s24+$0x130 ss:$0x1], $0xffff;
	_ =	sdelay $0x1  }
0x19f: {  	v3 =	vmul.f32 $7.071067810e+00, v59  }
0x1a0: {  	v1 =	vmul.f32 $7.071067810e+00, v60  }
0x1a1: {  	v2 =	vmul.f32 $7.071067810e+00, v61;
	[tilespmem:v0+s19+$0x1F0 ss:$0x1] =	vst.idx.msk $0xffff, v3  }
0x1a2: {  	v63 =	vmul.f32 $7.071067810e+00, v62;
	[tilespmem:v0+s20+$0x1B0 ss:$0x1] =	vst.idx.msk $0xffff, v1  }
0x1a3: {  	[tilespmem:v0+s23+$0x170 ss:$0x1] =	vst.idx.msk $0xffff, v2;
	v1 =	vld.idx.msk [tilespmem:v0+s20+$0x1C0 ss:$0x1], $0xffff  }
0x1a4: {  	[tilespmem:v0+s24+$0x130 ss:$0x1] =	vst.idx.msk $0xffff, v63;
	v2 =	vld.idx.msk [tilespmem:v0+s23+$0x180 ss:$0x1], $0xffff  }
0x1a5: {  	v3 =	vld.idx.msk [tilespmem:v0+s24+$0x140 ss:$0x1], $0xffff;
	_ =	sdelay $0x2  }
0x1a6: {  	v1 =	vmul.f32 $7.071067810e+00, v1  }
0x1a7: {  	v2 =	vmul.f32 $7.071067810e+00, v2  }
0x1a8: {  	v3 =	vmul.f32 $7.071067810e+00, v3;
	[tilespmem:v0+s20+$0x1C0 ss:$0x1] =	vst.idx.msk $0xffff, v1  }
0x1a9: {  	[tilespmem:v0+s23+$0x180 ss:$0x1] =	vst.idx.msk $0xffff, v2;
	v1 =	vld.idx.msk [tilespmem:v0+s20+$0x1D0 ss:$0x1], $0xffff  }
0x1aa: {  	[tilespmem:v0+s24+$0x140 ss:$0x1] =	vst.idx.msk $0xffff, v3;
	v2 =	vld.idx.msk [tilespmem:v0+s23+$0x190 ss:$0x1], $0xffff  }
0x1ab: {  	v3 =	vld.idx.msk [tilespmem:v0+s24+$0x150 ss:$0x1], $0xffff;
	_ =	sdelay $0x2  }
0x1ac: {  	v1 =	vmul.f32 $7.071067810e+00, v1  }
0x1ad: {  	v2 =	vmul.f32 $7.071067810e+00, v2  }
0x1ae: {  	v3 =	vmul.f32 $7.071067810e+00, v3;
	[tilespmem:v0+s20+$0x1D0 ss:$0x1] =	vst.idx.msk $0xffff, v1  }
0x1af: {  	[tilespmem:v0+s23+$0x190 ss:$0x1] =	vst.idx.msk $0xffff, v2;
	v1 =	vld.idx.msk [tilespmem:v0+s20+$0x1E0 ss:$0x1], $0xffff  }
0x1b0: {  	[tilespmem:v0+s24+$0x150 ss:$0x1] =	vst.idx.msk $0xffff, v3;
	v2 =	vld.idx.msk [tilespmem:v0+s23+$0x1A0 ss:$0x1], $0xffff  }
0x1b1: {  	v3 =	vld.idx.msk [tilespmem:v0+s24+$0x160 ss:$0x1], $0xffff;
	_ =	sdelay $0x2  }
0x1b2: {  	v1 =	vmul.f32 $7.071067810e+00, v1  }
0x1b3: {  	v2 =	vmul.f32 $7.071067810e+00, v2  }
0x1b4: {  	v3 =	vmul.f32 $7.071067810e+00, v3;
	[tilespmem:v0+s20+$0x1E0 ss:$0x1] =	vst.idx.msk $0xffff, v1  }
0x1b5: {  	[tilespmem:v0+s23+$0x1A0 ss:$0x1] =	vst.idx.msk $0xffff, v2;
	v1 =	vld.idx.msk [tilespmem:v0+s20+$0x1F0 ss:$0x1], $0xffff  }
0x1b6: {  	[tilespmem:v0+s24+$0x160 ss:$0x1] =	vst.idx.msk $0xffff, v3;
	v2 =	vld.idx.msk [tilespmem:v0+s23+$0x1B0 ss:$0x1], $0xffff  }
0x1b7: {  	v3 =	vld.idx.msk [tilespmem:v0+s24+$0x170 ss:$0x1], $0xffff;
	_ =	sdelay $0x2  }
0x1b8: {  	v1 =	vmul.f32 $7.071067810e+00, v1  }
0x1b9: {  	v2 =	vmul.f32 $7.071067810e+00, v2  }
0x1ba: {  	v3 =	vmul.f32 $7.071067810e+00, v3;
	[tilespmem:v0+s20+$0x1F0 ss:$0x1] =	vst.idx.msk $0xffff, v1  }
0x1bb: {  	[tilespmem:v0+s23+$0x1B0 ss:$0x1] =	vst.idx.msk $0xffff, v2  }
0x1bc: {  	[tilespmem:v0+s24+$0x170 ss:$0x1] =	vst.idx.msk $0xffff, v3;
	v1 =	vld.idx.msk [tilespmem:v0+s23+$0x1C0 ss:$0x1], $0xffff  }
0x1bd: {  	v2 =	vld.idx.msk [tilespmem:v0+s24+$0x180 ss:$0x1], $0xffff;
	_ =	sdelay $0x3  }
0x1be: {  	v1 =	vmul.f32 $7.071067810e+00, v1  }
0x1bf: {  	v2 =	vmul.f32 $7.071067810e+00, v2  }
0x1c0: {  	[tilespmem:v0+s23+$0x1C0 ss:$0x1] =	vst.idx.msk $0xffff, v1  }
0x1c1: {  	[tilespmem:v0+s24+$0x180 ss:$0x1] =	vst.idx.msk $0xffff, v2;
	v1 =	vld.idx.msk [tilespmem:v0+s23+$0x1D0 ss:$0x1], $0xffff  }
0x1c2: {  	v2 =	vld.idx.msk [tilespmem:v0+s24+$0x190 ss:$0x1], $0xffff;
	_ =	sdelay $0x3  }
0x1c3: {  	v1 =	vmul.f32 $7.071067810e+00, v1  }
0x1c4: {  	v2 =	vmul.f32 $7.071067810e+00, v2  }
0x1c5: {  	[tilespmem:v0+s23+$0x1D0 ss:$0x1] =	vst.idx.msk $0xffff, v1  }
0x1c6: {  	[tilespmem:v0+s24+$0x190 ss:$0x1] =	vst.idx.msk $0xffff, v2;
	v1 =	vld.idx.msk [tilespmem:v0+s23+$0x1E0 ss:$0x1], $0xffff  }
0x1c7: {  	v2 =	vld.idx.msk [tilespmem:v0+s24+$0x1A0 ss:$0x1], $0xffff;
	_ =	sdelay $0x3  }
0x1c8: {  	v1 =	vmul.f32 $7.071067810e+00, v1  }
0x1c9: {  	v2 =	vmul.f32 $7.071067810e+00, v2  }
0x1ca: {  	[tilespmem:v0+s23+$0x1E0 ss:$0x1] =	vst.idx.msk $0xffff, v1  }
0x1cb: {  	[tilespmem:v0+s24+$0x1A0 ss:$0x1] =	vst.idx.msk $0xffff, v2;
	v1 =	vld.idx.msk [tilespmem:v0+s23+$0x1F0 ss:$0x1], $0xffff  }
0x1cc: {  	v2 =	vld.idx.msk [tilespmem:v0+s24+$0x1B0 ss:$0x1], $0xffff;
	_ =	sdelay $0x3  }
0x1cd: {  	v1 =	vmul.f32 $7.071067810e+00, v1  }
0x1ce: {  	v2 =	vmul.f32 $7.071067810e+00, v2  }
0x1cf: {  	[tilespmem:v0+s23+$0x1F0 ss:$0x1] =	vst.idx.msk $0xffff, v1  }
0x1d0: {  	[tilespmem:v0+s24+$0x1B0 ss:$0x1] =	vst.idx.msk $0xffff, v2  }
0x1d1: {  	v1 =	vld.idx.msk [tilespmem:v0+s24+$0x1C0 ss:$0x1], $0xffff;
	_ =	sdelay $0x4  }
0x1d2: {  	v1 =	vmul.f32 $7.071067810e+00, v1;
	_ =	sdelay $0x1  }
0x1d3: {  	[tilespmem:v0+s24+$0x1C0 ss:$0x1] =	vst.idx.msk $0xffff, v1  }
0x1d4: {  	v1 =	vld.idx.msk [tilespmem:v0+s24+$0x1D0 ss:$0x1], $0xffff;
	_ =	sdelay $0x4  }
0x1d5: {  	v1 =	vmul.f32 $7.071067810e+00, v1;
	_ =	sdelay $0x1  }
0x1d6: {  	[tilespmem:v0+s24+$0x1D0 ss:$0x1] =	vst.idx.msk $0xffff, v1  }
0x1d7: {  	v1 =	vld.idx.msk [tilespmem:v0+s24+$0x1E0 ss:$0x1], $0xffff;
	_ =	sdelay $0x4  }
0x1d8: {  	v1 =	vmul.f32 $7.071067810e+00, v1;
	_ =	sdelay $0x1  }
0x1d9: {  	[tilespmem:v0+s24+$0x1E0 ss:$0x1] =	vst.idx.msk $0xffff, v1  }
0x1da: {  	v1 =	vld.idx.msk [tilespmem:v0+s24+$0x1F0 ss:$0x1], $0xffff;
	_ =	sdelay $0x1  }
0x1db: {  	s31 =	sshll.u32 s17, $0xE;
	s17 =	sadd.s32 $0x1, s17  }
0x1dc: {  	p0 =	sne.s32 s17, $0xC8  }
.Ltmp1:
0x1dd: {  	_ = 	snop;
	(pc) =	sbr.rel @p0 .LBB2_2-.Ltmp1, $4  }
0x1de: {  	s18 =	sadd.s32 s6, s31;
	v1 =	vmul.f32 $7.071067810e+00, v1  }
0x1df: {  	s18 =	sshrl.u32 s18, $0x3  }
0x1e0: {  	s16 =	sadd.s32 $0x4000, s16;
	s18 =	sadd.s32 s3, s18;
	[tilespmem:v0+s24+$0x1F0 ss:$0x1] =	vst.idx.msk $0xffff, v1  }
0x1e1: {  	[hbm4b:s18+s4] =	stream.linear.scatter [tilespmem:s25], [sflag:$0x2], $0x4000, $0x38;
	[tilespmem:$0x1E400] =	vst v63  }
0x1e2: {  	_ =	swait.ge [sflag:s14], $0x4000  }
0x1e3: {  	[sflag:s14] =	ssyncset.done $0x0  }
0x1e4: {  	s15 =	sadd.s32 $0x1, s15;
	[sflag:s14] =	ssyncadd.s32 $0xFFFFC000  }
0x1e5: {  	p0 =	sne.s32 s15, s7;
	_ =	swait.ge [sflag:s14], $0x4000  }
.Ltmp2:
0x1e6: {  	[sflag:s14] =	ssyncset.done $0x0;
	(pc) =	sbr.rel @p0 .LBB2_1-.Ltmp2, $4  }
0x1e7: {  	[sflag:s14] =	ssyncadd.s32 $0xFFFFC000  }
0x1e8: {  	_ =	swait.ge [sflag:s14], $0x4000  }
0x1e9: {  	[sflag:s14] =	ssyncset.done $0x0  }
0x1ea: {  	[sflag:s14] =	ssyncadd.s32 $0xFFFFC000  }
0x1eb: {  	_ =	sfence.sel $0x180000  }
0x1ec: {  	[bflag:$0x0] =	sbarrier.arrive $0xFFFF  }
0x1ed: {  	p0 =	sne.s32 s0, $0x0;
	_ =	strace $0x90000047  }
0x1ee: {  	s0 =	sadd.s32 @!p0 $0x100000, s1;
	[bflag:$0x2] =	sbarrier.arrive $0xFFFF  }
0x1ef: {  	[sflag:s0] =	ssyncadd.tile.s32 @!p0 $0x1;
	_ =	shalt  }
.Lfunc_end2:
_tile_overlayer_lowered:
.L_overlay_start_2:
0x1f0: {  	(tag) =	ssettag $0x2  }
0x1f1: {  	s0 =	rddreg [dreg:$0x0];
	s2 =	stileid.u32  }
0x1f2: {  	s1 =	rddreg [dreg:$0x1];
	p0 =	sne.s32 s2, $0x0  }
0x1f3: {  	s3 =	rddreg [dreg:$0x2];
	[bflag:$0x3] =	sbarrier.arrive $0xFFFF;
	s2 =	simm.s32 @!p0 $0x1C03  }
0x1f4: {  	[timem:s3], [sflag:s2] =	dma.local @!p0 [hbm:s0], s1  }
0x1f5: {  	s0 =	simm.s32 @!p0 $0x3  }
0x1f6: {  	_ =	swait.ge @!p0 [sflag:s0], s1  }
0x1f7: {  	s1 =	ssub.s32 @!p0 $0x0, s1;
	[sflag:s0] =	ssyncset.done @!p0 $0x0  }
0x1f8: {  	[sflag:s0] =	ssyncadd.s32 @!p0 s1  }
0x1f9: {  	[bflag:$0x3] =	sbarrier.arrive $0xFFFF  }
0x1fa: {  	_ =	shalt  }

</sc_bundles>
